<compile_context>
chip_gen: v7x
topology: tpu7x:2x2x1
jax: 0.10.2.dev20260603
libtpu: 0.0.44.dev20260713+nightly
codegen_flags: <defaults>
</compile_context>

<pallas_src>
import functools

import jax
import jax.numpy as jnp
from jax import lax
from jax.experimental import pallas as pl
from jax.experimental.pallas import tpu as pltpu
from jax.experimental.pallas import tpu_sc as plsc

NC = 2
NS = 16
L = 16

CHUNK = 128


def _sc_aggregate(n_rows_pad, n_chunk_rows, d_half):
    rows_per_tile = n_rows_pad // NS
    chunks_per_tile = n_chunk_rows // NS
    n_half = chunks_per_tile // 2
    mesh = plsc.VectorSubcoreMesh(
        core_axis_name="c", subcore_axis_name="s", num_cores=NC, num_subcores=NS)

    chunks_per_core = n_chunk_rows // NC
    cnt_chunks = chunks_per_core // NS

    @functools.partial(
        pl.kernel,
        out_type=(
            jax.ShapeDtypeStruct((n_rows_pad, d_half), jnp.float32),
            jax.ShapeDtypeStruct((n_rows_pad, d_half), jnp.float32),
            jax.ShapeDtypeStruct((NC, n_rows_pad, CHUNK), jnp.float32),
        ),
        mesh=mesh,
        scratch_types=dict(
            idx_all=pltpu.VMEM((2 * n_half, CHUNK), jnp.int32),
            buf0=pltpu.VMEM((CHUNK, d_half), jnp.float32),
            buf1=pltpu.VMEM((CHUNK, d_half), jnp.float32),
            acc=pltpu.VMEM_SHARED((n_rows_pad, d_half), jnp.float32),
            sem0=pltpu.SemaphoreType.DMA,
            sem1=pltpu.SemaphoreType.DMA,
        ),
    )
    def sc_kernel(xflat, edges0, edges1, dstflat, agg0, agg1, cnt_out,
                  idx_all, buf0, buf1, acc, sem0, sem1):
        cid = lax.axis_index("c")
        sid = lax.axis_index("s")
        zv = jnp.zeros((L,), jnp.float32)
        ov = jnp.full((L,), 1.0, jnp.float32)

        def fill_buf(buf, val):
            def fr(i, _):
                def inner(j, _):
                    buf[i, pl.ds(j * L, L)] = val
                    return 0
                lax.fori_loop(0, d_half // L, inner, 0)
                return 0
            lax.fori_loop(0, CHUNK, fr, 0)

        fill_buf(buf0, zv)

        r0 = sid * rows_per_tile
        nfull = rows_per_tile // CHUNK
        rem = rows_per_tile - nfull * CHUNK
        for b in range(nfull):
            pltpu.sync_copy(buf0, acc.at[pl.ds(r0 + b * CHUNK, CHUNK)])
        if rem:
            pltpu.sync_copy(buf0.at[pl.ds(0, rem)],
                            acc.at[pl.ds(r0 + nfull * CHUNK, rem)])
        plsc.subcore_barrier()

        H = CHUNK // 2

        def gather(x_ref, k, buf, sem):
            pltpu.async_copy(x_ref.at[idx_all.at[2 * k, pl.ds(0, H)]],
                             buf.at[pl.ds(0, H)], sem)
            pltpu.async_copy(x_ref.at[idx_all.at[2 * k, pl.ds(H, H)]],
                             buf.at[pl.ds(H, H)], sem)

        def gwait(x_ref, buf, sem):
            pltpu.make_async_copy(x_ref.at[idx_all.at[0, pl.ds(0, H)]],
                                  buf.at[pl.ds(0, H)], sem).wait()
            pltpu.make_async_copy(x_ref.at[idx_all.at[0, pl.ds(0, H)]],
                                  buf.at[pl.ds(H, H)], sem).wait()

        def run_edges(edges_ref):
            x_ref = xflat
            for h in range(2):
                erow = 2 * (sid * chunks_per_tile + h * n_half)
                pltpu.sync_copy(edges_ref.at[pl.ds(erow, 2 * n_half)],
                                idx_all)
                gather(x_ref, 0, buf0, sem0)
                gather(x_ref, 1, buf1, sem1)

                def body(g, _):
                    k0 = 2 * g
                    gwait(x_ref, buf0, sem0)
                    pltpu.sync_copy(buf0, acc.at[idx_all.at[2 * k0 + 1]],
                                    add=True)

                    @pl.when(g < n_half // 2 - 1)
                    def _():
                        gather(x_ref, k0 + 2, buf0, sem0)
                    gwait(x_ref, buf1, sem1)
                    pltpu.sync_copy(buf1, acc.at[idx_all.at[2 * k0 + 3]],
                                    add=True)

                    @pl.when(g < n_half // 2 - 1)
                    def _():
                        gather(x_ref, k0 + 3, buf1, sem1)
                    return 0
                lax.fori_loop(0, n_half // 2, body, 0)

        @pl.when(cid == 0)
        def _():
            run_edges(edges0)

        @pl.when(cid == 1)
        def _():
            run_edges(edges1)

        plsc.subcore_barrier()

        @pl.when(cid == 0)
        def _():
            pltpu.sync_copy(acc.at[pl.ds(r0, rows_per_tile)],
                            agg0.at[pl.ds(r0, rows_per_tile)])

        @pl.when(cid == 1)
        def _():
            pltpu.sync_copy(acc.at[pl.ds(r0, rows_per_tile)],
                            agg1.at[pl.ds(r0, rows_per_tile)])

        plsc.subcore_barrier()
        fill_buf(buf1, zv)
        fill_buf(buf0, ov)
        for b in range(nfull):
            pltpu.sync_copy(buf1, acc.at[pl.ds(r0 + b * CHUNK, CHUNK)])
        if rem:
            pltpu.sync_copy(buf1.at[pl.ds(0, rem)],
                            acc.at[pl.ds(r0 + nfull * CHUNK, rem)])
        plsc.subcore_barrier()

        b0 = cid * chunks_per_core + sid * cnt_chunks
        pltpu.sync_copy(dstflat.at[pl.ds(b0, cnt_chunks)],
                        idx_all.at[pl.ds(0, cnt_chunks)])

        def cbody(k, _):
            pltpu.async_copy(buf0, acc.at[idx_all.at[k]], sem0, add=True)
            return 0
        lax.fori_loop(0, cnt_chunks, cbody, 0)

        def cdrain(k, _):
            pltpu.make_async_copy(buf0, acc.at[idx_all.at[0]], sem0).wait()
            return 0
        lax.fori_loop(0, cnt_chunks, cdrain, 0)

        plsc.subcore_barrier()

        @pl.when(cid == 0)
        def _():
            pltpu.sync_copy(acc.at[pl.ds(r0, rows_per_tile)],
                            cnt_out.at[0, pl.ds(r0, rows_per_tile)])

        @pl.when(cid == 1)
        def _():
            pltpu.sync_copy(acc.at[pl.ds(r0, rows_per_tile)],
                            cnt_out.at[1, pl.ds(r0, rows_per_tile)])

    return sc_kernel


def _tc_tail(a0_ref, a1_ref, cnt_ref, w_ref, b_ref, tf_ref, out_ref):
    m = jnp.dot(a0_ref[...], w_ref[0:128, :],
                preferred_element_type=jnp.float32)
    m = m + jnp.dot(a1_ref[...], w_ref[128:256, :],
                    preferred_element_type=jnp.float32)
    deg = cnt_ref[0, :, 0:1] + cnt_ref[1, :, 0:1] + 1.0
    scale = lax.rsqrt(deg)
    left = jnp.maximum(m * scale + b_ref[...], 0.0)
    out_ref[...] = jnp.concatenate([left, jnp.abs(tf_ref[...])], axis=-1)


def kernel(x, inter_edge_index, W, bias, target_feat):
    n_src, d_in = x.shape
    n_tgt, tf_dim = target_feat.shape
    d_out = W.shape[1]
    d_half = d_in // 2
    e = inter_edge_index.shape[1]

    n_rows_pad = -(-(n_tgt + 1) // (NS * 8)) * (NS * 8)

    unit = NC * NS * CHUNK
    e_pad = -(-e // unit) * unit
    src = inter_edge_index[0]
    dst = inter_edge_index[1]
    if e_pad != e:
        pad = e_pad - e
        src = jnp.concatenate([src, jnp.zeros((pad,), jnp.int32)])
        dst = jnp.concatenate([dst, jnp.full((pad,), n_tgt, jnp.int32)])
    src2d = src.reshape(e_pad // CHUNK, CHUNK)
    dst2d = dst.reshape(e_pad // CHUNK, CHUNK)
    xflat = x.reshape(2 * n_src, d_half)
    edges0 = jnp.stack([2 * src2d, dst2d], axis=1).reshape(
        2 * (e_pad // CHUNK), CHUNK)
    edges1 = jnp.stack([2 * src2d + 1, dst2d], axis=1).reshape(
        2 * (e_pad // CHUNK), CHUNK)

    agg0, agg1, cnt = _sc_aggregate(n_rows_pad, e_pad // CHUNK, d_half)(
        xflat, edges0, edges1, dst2d)

    blk = 2000
    grid = n_tgt // blk
    out = pl.pallas_call(
        _tc_tail,
        grid=(grid,),
        in_specs=[
            pl.BlockSpec((blk, d_half), lambda i: (i, 0)),
            pl.BlockSpec((blk, d_half), lambda i: (i, 0)),
            pl.BlockSpec((NC, blk, CHUNK), lambda i: (0, i, 0)),
            pl.BlockSpec((d_in, d_out), lambda i: (0, 0)),
            pl.BlockSpec((1, d_out), lambda i: (0, 0)),
            pl.BlockSpec((blk, tf_dim), lambda i: (i, 0)),
        ],
        out_specs=pl.BlockSpec((blk, d_out + tf_dim), lambda i: (i, 0)),
        out_shape=jax.ShapeDtypeStruct((n_tgt, d_out + tf_dim), jnp.float32),
    )(agg0, agg1, cnt, W, bias.reshape(1, d_out), target_feat)
    return out

# --- scband reference (transcript-rebuilt; emitter-appended) ---
"""Pipeline reference for scband-inter-graph-21801253994528 (READ-ONLY COPY).

The authoritative reference and input builder live on the scoring server;
editing this copy changes nothing except your own understanding.
"""

import jax, jax.numpy as jnp
import numpy as np

N_SOURCE = 10000
N_TARGET = 10000
D_IN = 256
D_OUT = 256
TF_DIM = 32
E = 160000


def setup_inputs(seed: int = 0) -> dict:
    key = jax.random.key(seed)
    k1, k2, k3, k4, k5 = jax.random.split(key, 5)
    x = jax.random.normal(k1, (N_SOURCE, D_IN), dtype=jnp.float32)
    src = jax.random.randint(k2, (E,), 0, N_SOURCE)
    dst = jax.random.randint(k3, (E,), 0, N_TARGET)
    inter_edge_index = jnp.stack([src, dst]).astype(jnp.int32)
    stdv = float(np.sqrt(6.0 / (D_IN + D_OUT)))
    W = jax.random.uniform(k4, (D_IN, D_OUT), minval=-stdv, maxval=stdv, dtype=jnp.float32)
    bias = jnp.zeros((D_OUT,), dtype=jnp.float32)
    target_feat = jax.random.normal(k5, (N_TARGET, TF_DIM), dtype=jnp.float32)
    return {"x": x, "inter_edge_index": inter_edge_index, "W": W, "bias": bias, "target_feat": target_feat}


def reference(x, inter_edge_index, W, bias, target_feat):
    n_source = x.shape[0]
    n_target = target_feat.shape[0]
    N = n_source + n_target
    # tmp = edge_index; tmp[1] += n_source
    row = inter_edge_index[0]
    col = inter_edge_index[1] + n_source
    # pad x with zeros for target nodes
    xcat = jnp.concatenate([x, jnp.zeros((n_target, x.shape[1]), dtype=x.dtype)], axis=0)
    # myGCN: linear transform
    h = xcat @ W
    # norm(): edge_weight ones, add_remaining_self_loops (no pre-existing self loops here)
    loop = jnp.arange(N, dtype=row.dtype)
    row_full = jnp.concatenate([row, loop])
    col_full = jnp.concatenate([col, loop])
    ew = jnp.ones((row_full.shape[0],), dtype=h.dtype)
    deg = jnp.zeros((N,), dtype=h.dtype).at[col_full].add(ew)
    deg_inv_sqrt = jnp.power(deg, -0.5)
    deg_inv_sqrt = jnp.where(jnp.isinf(deg_inv_sqrt), 0.0, deg_inv_sqrt)
    norm = deg_inv_sqrt[row_full] * ew * deg_inv_sqrt[col_full]
    # propagate: message = norm * x_j (x_j = h[row]); aggr='add' at col
    msg = norm[:, None] * h[row_full]
    out = jnp.zeros((N, h.shape[1]), dtype=h.dtype).at[col_full].add(msg)
    # update: add bias
    out = out + bias
    # interGraph tail
    out = out[n_source:, :]
    out = jax.nn.relu(out)
    return jnp.concatenate([out, jnp.abs(target_feat)], axis=1)

if __name__ == "__main__":
    import jax
    _d = setup_inputs()
    print(jax.jit(kernel)(*tuple(_d.values())))

</pallas_src>

<mosaic_0001>
#map = affine_map<(d0, d1) -> (0, 0)>
#map1 = affine_map<(d0, d1) -> (0, 0, 0)>
module attributes {stable_mosaic.version = 14 : i64} {
  func.func @sc_kernel(%arg0: i32, %arg1: i32, %arg2: memref<20000x128xf32, #tpu.memory_space<hbm>>, %arg3: memref<2560x128xi32, #tpu.memory_space<hbm>>, %arg4: memref<2560x128xi32, #tpu.memory_space<hbm>>, %arg5: memref<1280x128xi32, #tpu.memory_space<hbm>>, %arg6: memref<10112x128xf32, #tpu.memory_space<hbm>>, %arg7: memref<10112x128xf32, #tpu.memory_space<hbm>>, %arg8: memref<2x10112x128xf32, #tpu.memory_space<hbm>>, %arg9: memref<10112x128xf32, #tpu.memory_space<vmem_shared>>, %arg10: memref<128x128xf32, #tpu.memory_space<vmem>>, %arg11: memref<128x128xf32, #tpu.memory_space<vmem>>, %arg12: memref<80x128xi32, #tpu.memory_space<vmem>>, %arg13: memref<!tpu.dma_semaphore, #tpu.memory_space<semaphore_mem>>, %arg14: memref<!tpu.dma_semaphore, #tpu.memory_space<semaphore_mem>>) attributes {dimension_semantics = [#tpu.dimension_semantics<core_parallel>, #tpu.dimension_semantics<subcore_parallel>], iteration_bounds = array<i64: 2, 16>, scalar_prefetch = 0 : i64, scratch_operands = 6 : i64, tpu.core_type = #tpu.core_type<sc_vector_subcore>, window_params = [{transform_indices = #map}, {transform_indices = #map}, {transform_indices = #map}, {transform_indices = #map}, {transform_indices = #map}, {transform_indices = #map}, {transform_indices = #map1}]} {
    %broadcast_in_dim3A = arith.constant 0.000000e+00 : f32
    %broadcast_in_dim3A_0 = vector.broadcast %broadcast_in_dim3A : f32 to vector<16xf32>
    %broadcast_in_dim3A_1 = arith.constant 1.000000e+00 : f32
    %broadcast_in_dim3A_2 = vector.broadcast %broadcast_in_dim3A_1 : f32 to vector<16xf32>
    %scan3A = arith.constant 0 : i32
    %scan3A_3 = arith.constant 0 : i32
    %scan3A_4 = arith.constant 128 : i32
    %scan3A_5 = arith.addi %scan3A_3, %scan3A_4 : i32
    %scan3A_6 = arith.constant 1 : i32
    %scan3A_7 = scf.for %scan3A_93 = %scan3A_3 to %scan3A_5 step %scan3A_6 iter_args(%scan3A_94 = %scan3A) -> (i32)  : i32 {
      %scan3A_95 = arith.constant 0 : i32
      %scan3A_96 = arith.constant 0 : i32
      %scan3A_97 = arith.constant 8 : i32
      %scan3A_98 = arith.addi %scan3A_96, %scan3A_97 : i32
      %scan3A_99 = arith.constant 1 : i32
      %scan3A_100 = scf.for %scan3A_103 = %scan3A_96 to %scan3A_98 step %scan3A_99 iter_args(%scan3A_104 = %scan3A_95) -> (i32)  : i32 {
        %mul3A_105 = arith.constant 16 : i32
        %mul3A_106 = arith.muli %scan3A_103, %mul3A_105 : i32
        %swap3A = arith.index_cast %scan3A_93 : i32 to index
        %swap3A_107 = arith.index_cast %mul3A_106 : i32 to index
        %swap3A_108 = tpu.vector_load %arg10[%swap3A, %swap3A_107] {strides = array<i32>} : memref<128x128xf32, #tpu.memory_space<vmem>>, vector<1x16xf32>,
        %swap3A_109 = vector.shape_cast %swap3A_108 : vector<1x16xf32> to vector<16xf32>
        %swap3A_110 = vector.shape_cast %broadcast_in_dim3A_0 : vector<16xf32> to vector<1x16xf32>
        tpu.vector_store %arg10[%swap3A, %swap3A_107], %swap3A_110 {strides = array<i32>} : memref<128x128xf32, #tpu.memory_space<vmem>>, vector<1x16xf32>,
        %scan3A_111 = arith.constant 0 : i32
        scf.yield %scan3A_111 : i32
      }
      %scan3A_101 = arith.constant 8 : i32
      %scan3A_102 = arith.constant 0 : i32
      scf.yield %scan3A_102 : i32
    }
    %scan3A_8 = arith.constant 128 : i32
    %mul3A = arith.constant 632 : i32
    %mul3A_9 = arith.muli %arg1, %mul3A : i32
    %add3A = arith.constant 0 : i32
    %add3A_10 = arith.addi %mul3A_9, %add3A : i32
    "tpu.region"() ({
      %run_scoped3A = tpu.sem_alloc : memref<!tpu.dma_semaphore, #tpu.memory_space<semaphore_mem>>
      %dma_start3A = arith.constant 0 : i32
      %dma_start3A_93 = tpu.memref_slice %arg9[%add3A_10, %dma_start3A] : memref<10112x128xf32, #tpu.memory_space<vmem_shared>> -> memref<128x128xf32, #tpu.memory_space<vmem_shared>>
      %dma_start3A_94 = arith.constant 0 : i32
      %dma_start3A_95 = tpu.memref_slice %arg9[%add3A_10, %dma_start3A_94] : memref<10112x128xf32, #tpu.memory_space<vmem_shared>> -> memref<128x128xf32, #tpu.memory_space<vmem_shared>>
      tpu.enqueue_dma source(%arg10 : memref<128x128xf32, #tpu.memory_space<vmem>>) target(%dma_start3A_95 : memref<128x128xf32, #tpu.memory_space<vmem_shared>>) target_semaphore(%run_scoped3A : memref<!tpu.dma_semaphore, #tpu.memory_space<semaphore_mem>>)
      %dma_wait3A = arith.constant 0 : i32
      %dma_wait3A_96 = tpu.memref_slice %arg9[%add3A_10, %dma_wait3A] : memref<10112x128xf32, #tpu.memory_space<vmem_shared>> -> memref<128x128xf32, #tpu.memory_space<vmem_shared>>
      %dma_wait3A_97 = arith.constant 0 : i32
      %dma_wait3A_98 = tpu.memref_slice %arg9[%add3A_10, %dma_wait3A_97] : memref<10112x128xf32, #tpu.memory_space<vmem_shared>> -> memref<128x128xf32, #tpu.memory_space<vmem_shared>>
      tpu.wait_dma2 semaphore(%run_scoped3A : memref<!tpu.dma_semaphore, #tpu.memory_space<semaphore_mem>>) src(%arg10 : memref<128x128xf32, #tpu.memory_space<vmem>>) dst(%dma_wait3A_98 : memref<128x128xf32, #tpu.memory_space<vmem_shared>>)
      tpu.yield
    }) : () -> ()
    %add3A_11 = arith.constant 128 : i32
    %add3A_12 = arith.addi %mul3A_9, %add3A_11 : i32
    "tpu.region"() ({
      %run_scoped3A = tpu.sem_alloc : memref<!tpu.dma_semaphore, #tpu.memory_space<semaphore_mem>>
      %dma_start3A = arith.constant 0 : i32
      %dma_start3A_93 = tpu.memref_slice %arg9[%add3A_12, %dma_start3A] : memref<10112x128xf32, #tpu.memory_space<vmem_shared>> -> memref<128x128xf32, #tpu.memory_space<vmem_shared>>
      %dma_start3A_94 = arith.constant 0 : i32
      %dma_start3A_95 = tpu.memref_slice %arg9[%add3A_12, %dma_start3A_94] : memref<10112x128xf32, #tpu.memory_space<vmem_shared>> -> memref<128x128xf32, #tpu.memory_space<vmem_shared>>
      tpu.enqueue_dma source(%arg10 : memref<128x128xf32, #tpu.memory_space<vmem>>) target(%dma_start3A_95 : memref<128x128xf32, #tpu.memory_space<vmem_shared>>) target_semaphore(%run_scoped3A : memref<!tpu.dma_semaphore, #tpu.memory_space<semaphore_mem>>)
      %dma_wait3A = arith.constant 0 : i32
      %dma_wait3A_96 = tpu.memref_slice %arg9[%add3A_12, %dma_wait3A] : memref<10112x128xf32, #tpu.memory_space<vmem_shared>> -> memref<128x128xf32, #tpu.memory_space<vmem_shared>>
      %dma_wait3A_97 = arith.constant 0 : i32
      %dma_wait3A_98 = tpu.memref_slice %arg9[%add3A_12, %dma_wait3A_97] : memref<10112x128xf32, #tpu.memory_space<vmem_shared>> -> memref<128x128xf32, #tpu.memory_space<vmem_shared>>
      tpu.wait_dma2 semaphore(%run_scoped3A : memref<!tpu.dma_semaphore, #tpu.memory_space<semaphore_mem>>) src(%arg10 : memref<128x128xf32, #tpu.memory_space<vmem>>) dst(%dma_wait3A_98 : memref<128x128xf32, #tpu.memory_space<vmem_shared>>)
      tpu.yield
    }) : () -> ()
    %add3A_13 = arith.constant 256 : i32
    %add3A_14 = arith.addi %mul3A_9, %add3A_13 : i32
    "tpu.region"() ({
      %run_scoped3A = tpu.sem_alloc : memref<!tpu.dma_semaphore, #tpu.memory_space<semaphore_mem>>
      %dma_start3A = arith.constant 0 : i32
      %dma_start3A_93 = tpu.memref_slice %arg9[%add3A_14, %dma_start3A] : memref<10112x128xf32, #tpu.memory_space<vmem_shared>> -> memref<128x128xf32, #tpu.memory_space<vmem_shared>>
      %dma_start3A_94 = arith.constant 0 : i32
      %dma_start3A_95 = tpu.memref_slice %arg9[%add3A_14, %dma_start3A_94] : memref<10112x128xf32, #tpu.memory_space<vmem_shared>> -> memref<128x128xf32, #tpu.memory_space<vmem_shared>>
      tpu.enqueue_dma source(%arg10 : memref<128x128xf32, #tpu.memory_space<vmem>>) target(%dma_start3A_95 : memref<128x128xf32, #tpu.memory_space<vmem_shared>>) target_semaphore(%run_scoped3A : memref<!tpu.dma_semaphore, #tpu.memory_space<semaphore_mem>>)
      %dma_wait3A = arith.constant 0 : i32
      %dma_wait3A_96 = tpu.memref_slice %arg9[%add3A_14, %dma_wait3A] : memref<10112x128xf32, #tpu.memory_space<vmem_shared>> -> memref<128x128xf32, #tpu.memory_space<vmem_shared>>
      %dma_wait3A_97 = arith.constant 0 : i32
      %dma_wait3A_98 = tpu.memref_slice %arg9[%add3A_14, %dma_wait3A_97] : memref<10112x128xf32, #tpu.memory_space<vmem_shared>> -> memref<128x128xf32, #tpu.memory_space<vmem_shared>>
      tpu.wait_dma2 semaphore(%run_scoped3A : memref<!tpu.dma_semaphore, #tpu.memory_space<semaphore_mem>>) src(%arg10 : memref<128x128xf32, #tpu.memory_space<vmem>>) dst(%dma_wait3A_98 : memref<128x128xf32, #tpu.memory_space<vmem_shared>>)
      tpu.yield
    }) : () -> ()
    %add3A_15 = arith.constant 384 : i32
    %add3A_16 = arith.addi %mul3A_9, %add3A_15 : i32
    "tpu.region"() ({
      %run_scoped3A = tpu.sem_alloc : memref<!tpu.dma_semaphore, #tpu.memory_space<semaphore_mem>>
      %dma_start3A = arith.constant 0 : i32
      %dma_start3A_93 = tpu.memref_slice %arg9[%add3A_16, %dma_start3A] : memref<10112x128xf32, #tpu.memory_space<vmem_shared>> -> memref<128x128xf32, #tpu.memory_space<vmem_shared>>
      %dma_start3A_94 = arith.constant 0 : i32
      %dma_start3A_95 = tpu.memref_slice %arg9[%add3A_16, %dma_start3A_94] : memref<10112x128xf32, #tpu.memory_space<vmem_shared>> -> memref<128x128xf32, #tpu.memory_space<vmem_shared>>
      tpu.enqueue_dma source(%arg10 : memref<128x128xf32, #tpu.memory_space<vmem>>) target(%dma_start3A_95 : memref<128x128xf32, #tpu.memory_space<vmem_shared>>) target_semaphore(%run_scoped3A : memref<!tpu.dma_semaphore, #tpu.memory_space<semaphore_mem>>)
      %dma_wait3A = arith.constant 0 : i32
      %dma_wait3A_96 = tpu.memref_slice %arg9[%add3A_16, %dma_wait3A] : memref<10112x128xf32, #tpu.memory_space<vmem_shared>> -> memref<128x128xf32, #tpu.memory_space<vmem_shared>>
      %dma_wait3A_97 = arith.constant 0 : i32
      %dma_wait3A_98 = tpu.memref_slice %arg9[%add3A_16, %dma_wait3A_97] : memref<10112x128xf32, #tpu.memory_space<vmem_shared>> -> memref<128x128xf32, #tpu.memory_space<vmem_shared>>
      tpu.wait_dma2 semaphore(%run_scoped3A : memref<!tpu.dma_semaphore, #tpu.memory_space<semaphore_mem>>) src(%arg10 : memref<128x128xf32, #tpu.memory_space<vmem>>) dst(%dma_wait3A_98 : memref<128x128xf32, #tpu.memory_space<vmem_shared>>)
      tpu.yield
    }) : () -> ()
    %add3A_17 = arith.constant 512 : i32
    %add3A_18 = arith.addi %mul3A_9, %add3A_17 : i32
    "tpu.region"() ({
      %run_scoped3A = tpu.sem_alloc : memref<!tpu.dma_semaphore, #tpu.memory_space<semaphore_mem>>
      %dma_start3A = arith.constant 0 : i32
      %dma_start3A_93 = arith.constant 0 : i32
      %dma_start3A_94 = tpu.memref_slice %arg10[%dma_start3A, %dma_start3A_93] : memref<128x128xf32, #tpu.memory_space<vmem>> -> memref<120x128xf32, #tpu.memory_space<vmem>>
      %dma_start3A_95 = arith.constant 0 : i32
      %dma_start3A_96 = tpu.memref_slice %arg9[%add3A_18, %dma_start3A_95] : memref<10112x128xf32, #tpu.memory_space<vmem_shared>> -> memref<120x128xf32, #tpu.memory_space<vmem_shared>>
      %dma_start3A_97 = arith.constant 0 : i32
      %dma_start3A_98 = tpu.memref_slice %arg9[%add3A_18, %dma_start3A_97] : memref<10112x128xf32, #tpu.memory_space<vmem_shared>> -> memref<120x128xf32, #tpu.memory_space<vmem_shared>>
      %dma_start3A_99 = arith.constant 0 : i32
      %dma_start3A_100 = arith.constant 0 : i32
      %dma_start3A_101 = tpu.memref_slice %arg10[%dma_start3A_99, %dma_start3A_100] : memref<128x128xf32, #tpu.memory_space<vmem>> -> memref<120x128xf32, #tpu.memory_space<vmem>>
      tpu.enqueue_dma source(%dma_start3A_101 : memref<120x128xf32, #tpu.memory_space<vmem>>) target(%dma_start3A_98 : memref<120x128xf32, #tpu.memory_space<vmem_shared>>) target_semaphore(%run_scoped3A : memref<!tpu.dma_semaphore, #tpu.memory_space<semaphore_mem>>)
      %dma_wait3A = arith.constant 0 : i32
      %dma_wait3A_102 = arith.constant 0 : i32
      %dma_wait3A_103 = tpu.memref_slice %arg10[%dma_wait3A, %dma_wait3A_102] : memref<128x128xf32, #tpu.memory_space<vmem>> -> memref<120x128xf32, #tpu.memory_space<vmem>>
      %dma_wait3A_104 = arith.constant 0 : i32
      %dma_wait3A_105 = tpu.memref_slice %arg9[%add3A_18, %dma_wait3A_104] : memref<10112x128xf32, #tpu.memory_space<vmem_shared>> -> memref<120x128xf32, #tpu.memory_space<vmem_shared>>
      %dma_wait3A_106 = arith.constant 0 : i32
      %dma_wait3A_107 = tpu.memref_slice %arg9[%add3A_18, %dma_wait3A_106] : memref<10112x128xf32, #tpu.memory_space<vmem_shared>> -> memref<120x128xf32, #tpu.memory_space<vmem_shared>>
      %dma_wait3A_108 = arith.constant 0 : i32
      %dma_wait3A_109 = arith.constant 0 : i32
      %dma_wait3A_110 = tpu.memref_slice %arg10[%dma_wait3A_108, %dma_wait3A_109] : memref<128x128xf32, #tpu.memory_space<vmem>> -> memref<120x128xf32, #tpu.memory_space<vmem>>
      tpu.wait_dma2 semaphore(%run_scoped3A : memref<!tpu.dma_semaphore, #tpu.memory_space<semaphore_mem>>) src(%dma_wait3A_110 : memref<120x128xf32, #tpu.memory_space<vmem>>) dst(%dma_wait3A_107 : memref<120x128xf32, #tpu.memory_space<vmem_shared>>)
      tpu.yield
    }) : () -> ()
    %barrier3A = arith.constant 0 : index
    tpu.barrier barrier_id(%barrier3A)
    %eq3A = arith.constant 0 : i32
    %eq3A_19 = arith.cmpi eq, %arg0, %eq3A : i32
    %convert_element_type3A = arith.extui %eq3A_19 : i1 to i32
    %cond3A = arith.constant 0 : i32
    %cond3A_20 = arith.cmpi ne, %convert_element_type3A, %cond3A : i32
    scf.if %cond3A_20 {
      %mul3A_93 = arith.constant 80 : i32
      %mul3A_94 = arith.muli %arg1, %mul3A_93 : i32
      %add3A_95 = arith.constant 0 : i32
      %add3A_96 = arith.addi %mul3A_94, %add3A_95 : i32
      %mul3A_97 = arith.constant 2 : i32
      %mul3A_98 = arith.muli %mul3A_97, %add3A_96 : i32
      "tpu.region"() ({
        %run_scoped3A = tpu.sem_alloc : memref<!tpu.dma_semaphore, #tpu.memory_space<semaphore_mem>>
        %dma_start3A_198 = arith.constant 0 : i32
        %dma_start3A_199 = tpu.memref_slice %arg3[%mul3A_98, %dma_start3A_198] : memref<2560x128xi32, #tpu.memory_space<hbm>> -> memref<80x128xi32, #tpu.memory_space<hbm>>
        %dma_start3A_200 = arith.constant 0 : i32
        %dma_start3A_201 = tpu.memref_slice %arg3[%mul3A_98, %dma_start3A_200] : memref<2560x128xi32, #tpu.memory_space<hbm>> -> memref<80x128xi32, #tpu.memory_space<hbm>>
        tpu.enqueue_dma source(%dma_start3A_201 : memref<80x128xi32, #tpu.memory_space<hbm>>) target(%arg12 : memref<80x128xi32, #tpu.memory_space<vmem>>) target_semaphore(%run_scoped3A : memref<!tpu.dma_semaphore, #tpu.memory_space<semaphore_mem>>)
        %dma_wait3A = arith.constant 0 : i32
        %dma_wait3A_202 = tpu.memref_slice %arg3[%mul3A_98, %dma_wait3A] : memref<2560x128xi32, #tpu.memory_space<hbm>> -> memref<80x128xi32, #tpu.memory_space<hbm>>
        %dma_wait3A_203 = arith.constant 0 : i32
        %dma_wait3A_204 = tpu.memref_slice %arg3[%mul3A_98, %dma_wait3A_203] : memref<2560x128xi32, #tpu.memory_space<hbm>> -> memref<80x128xi32, #tpu.memory_space<hbm>>
        tpu.wait_dma2 semaphore(%run_scoped3A : memref<!tpu.dma_semaphore, #tpu.memory_space<semaphore_mem>>) src(%dma_wait3A_204 : memref<80x128xi32, #tpu.memory_space<hbm>>) dst(%arg12 : memref<80x128xi32, #tpu.memory_space<vmem>>)
        tpu.yield
      }) : () -> ()
      %dma_start3A = arith.constant 0 : i32
      %dma_start3A_99 = arith.constant 0 : i32
      %dma_start3A_100 = arith.constant 0 : i32
      %dma_start3A_101 = tpu.memref_slice %arg10[%dma_start3A_99, %dma_start3A_100] : memref<128x128xf32, #tpu.memory_space<vmem>> -> memref<64x128xf32, #tpu.memory_space<vmem>>
      %dma_start3A_102 = arith.constant 0 : i32
      %dma_start3A_103 = tpu.memref_slice %arg12[%dma_start3A, %dma_start3A_102] : memref<80x128xi32, #tpu.memory_space<vmem>> -> memref<1x64xi32, #tpu.memory_space<vmem>>
      %dma_start3A_104 = tpu.memref_squeeze %dma_start3A_103 : memref<1x64xi32, #tpu.memory_space<vmem>> -> memref<64xi32, #tpu.memory_space<vmem>>
      %dma_start3A_105 = arith.constant 0 : i32
      %dma_start3A_106 = arith.constant 0 : i32
      %dma_start3A_107 = tpu.memref_slice %arg2[%dma_start3A_105, %dma_start3A_106] : memref<20000x128xf32, #tpu.memory_space<hbm>> -> memref<20000x128xf32, #tpu.memory_space<hbm>>
      tpu.enqueue_indirect_dma source(%dma_start3A_107 : memref<20000x128xf32, #tpu.memory_space<hbm>>) target(%dma_start3A_101 : memref<64x128xf32, #tpu.memory_space<vmem>>) offsets(%dma_start3A_104 : memref<64xi32, #tpu.memory_space<vmem>>) semaphore(%arg13 : memref<!tpu.dma_semaphore, #tpu.memory_space<semaphore_mem>>)
      %dma_start3A_108 = arith.constant 0 : i32
      %dma_start3A_109 = arith.constant 64 : i32
      %dma_start3A_110 = arith.constant 0 : i32
      %dma_start3A_111 = tpu.memref_slice %arg10[%dma_start3A_109, %dma_start3A_110] : memref<128x128xf32, #tpu.memory_space<vmem>> -> memref<64x128xf32, #tpu.memory_space<vmem>>
      %dma_start3A_112 = arith.constant 64 : i32
      %dma_start3A_113 = tpu.memref_slice %arg12[%dma_start3A_108, %dma_start3A_112] : memref<80x128xi32, #tpu.memory_space<vmem>> -> memref<1x64xi32, #tpu.memory_space<vmem>>
      %dma_start3A_114 = tpu.memref_squeeze %dma_start3A_113 : memref<1x64xi32, #tpu.memory_space<vmem>> -> memref<64xi32, #tpu.memory_space<vmem>>
      %dma_start3A_115 = arith.constant 0 : i32
      %dma_start3A_116 = arith.constant 0 : i32
      %dma_start3A_117 = tpu.memref_slice %arg2[%dma_start3A_115, %dma_start3A_116] : memref<20000x128xf32, #tpu.memory_space<hbm>> -> memref<20000x128xf32, #tpu.memory_space<hbm>>
      tpu.enqueue_indirect_dma source(%dma_start3A_117 : memref<20000x128xf32, #tpu.memory_space<hbm>>) target(%dma_start3A_111 : memref<64x128xf32, #tpu.memory_space<vmem>>) offsets(%dma_start3A_114 : memref<64xi32, #tpu.memory_space<vmem>>) semaphore(%arg13 : memref<!tpu.dma_semaphore, #tpu.memory_space<semaphore_mem>>)
      %dma_start3A_118 = arith.constant 2 : i32
      %dma_start3A_119 = arith.constant 0 : i32
      %dma_start3A_120 = arith.constant 0 : i32
      %dma_start3A_121 = tpu.memref_slice %arg11[%dma_start3A_119, %dma_start3A_120] : memref<128x128xf32, #tpu.memory_space<vmem>> -> memref<64x128xf32, #tpu.memory_space<vmem>>
      %dma_start3A_122 = arith.constant 0 : i32
      %dma_start3A_123 = tpu.memref_slice %arg12[%dma_start3A_118, %dma_start3A_122] : memref<80x128xi32, #tpu.memory_space<vmem>> -> memref<1x64xi32, #tpu.memory_space<vmem>>
      %dma_start3A_124 = tpu.memref_squeeze %dma_start3A_123 : memref<1x64xi32, #tpu.memory_space<vmem>> -> memref<64xi32, #tpu.memory_space<vmem>>
      %dma_start3A_125 = arith.constant 0 : i32
      %dma_start3A_126 = arith.constant 0 : i32
      %dma_start3A_127 = tpu.memref_slice %arg2[%dma_start3A_125, %dma_start3A_126] : memref<20000x128xf32, #tpu.memory_space<hbm>> -> memref<20000x128xf32, #tpu.memory_space<hbm>>
      tpu.enqueue_indirect_dma source(%dma_start3A_127 : memref<20000x128xf32, #tpu.memory_space<hbm>>) target(%dma_start3A_121 : memref<64x128xf32, #tpu.memory_space<vmem>>) offsets(%dma_start3A_124 : memref<64xi32, #tpu.memory_space<vmem>>) semaphore(%arg14 : memref<!tpu.dma_semaphore, #tpu.memory_space<semaphore_mem>>)
      %dma_start3A_128 = arith.constant 2 : i32
      %dma_start3A_129 = arith.constant 64 : i32
      %dma_start3A_130 = arith.constant 0 : i32
      %dma_start3A_131 = tpu.memref_slice %arg11[%dma_start3A_129, %dma_start3A_130] : memref<128x128xf32, #tpu.memory_space<vmem>> -> memref<64x128xf32, #tpu.memory_space<vmem>>
      %dma_start3A_132 = arith.constant 64 : i32
      %dma_start3A_133 = tpu.memref_slice %arg12[%dma_start3A_128, %dma_start3A_132] : memref<80x128xi32, #tpu.memory_space<vmem>> -> memref<1x64xi32, #tpu.memory_space<vmem>>
      %dma_start3A_134 = tpu.memref_squeeze %dma_start3A_133 : memref<1x64xi32, #tpu.memory_space<vmem>> -> memref<64xi32, #tpu.memory_space<vmem>>
      %dma_start3A_135 = arith.constant 0 : i32
      %dma_start3A_136 = arith.constant 0 : i32
      %dma_start3A_137 = tpu.memref_slice %arg2[%dma_start3A_135, %dma_start3A_136] : memref<20000x128xf32, #tpu.memory_space<hbm>> -> memref<20000x128xf32, #tpu.memory_space<hbm>>
      tpu.enqueue_indirect_dma source(%dma_start3A_137 : memref<20000x128xf32, #tpu.memory_space<hbm>>) target(%dma_start3A_131 : memref<64x128xf32, #tpu.memory_space<vmem>>) offsets(%dma_start3A_134 : memref<64xi32, #tpu.memory_space<vmem>>) semaphore(%arg14 : memref<!tpu.dma_semaphore, #tpu.memory_space<semaphore_mem>>)
      %scan3A_138 = arith.constant 0 : i32
      %scan3A_139 = arith.constant 0 : i32
      %scan3A_140 = arith.constant 20 : i32
      %scan3A_141 = arith.addi %scan3A_139, %scan3A_140 : i32
      %scan3A_142 = arith.constant 1 : i32
      %scan3A_143 = scf.for %scan3A_198 = %scan3A_139 to %scan3A_141 step %scan3A_142 iter_args(%scan3A_199 = %scan3A_138) -> (i32)  : i32 {
        %mul3A_200 = arith.constant 2 : i32
        %mul3A_201 = arith.muli %mul3A_200, %scan3A_198 : i32
        %dma_wait3A = arith.constant 0 : i32
        %dma_wait3A_202 = arith.constant 0 : i32
        %dma_wait3A_203 = arith.constant 0 : i32
        %dma_wait3A_204 = tpu.memref_slice %arg10[%dma_wait3A_202, %dma_wait3A_203] : memref<128x128xf32, #tpu.memory_space<vmem>> -> memref<64x128xf32, #tpu.memory_space<vmem>>
        %dma_wait3A_205 = arith.constant 0 : i32
        %dma_wait3A_206 = tpu.memref_slice %arg12[%dma_wait3A, %dma_wait3A_205] : memref<80x128xi32, #tpu.memory_space<vmem>> -> memref<1x64xi32, #tpu.memory_space<vmem>>
        %dma_wait3A_207 = tpu.memref_squeeze %dma_wait3A_206 : memref<1x64xi32, #tpu.memory_space<vmem>> -> memref<64xi32, #tpu.memory_space<vmem>>
        %dma_wait3A_208 = arith.constant 0 : i32
        %dma_wait3A_209 = arith.constant 0 : i32
        %dma_wait3A_210 = tpu.memref_slice %arg2[%dma_wait3A_208, %dma_wait3A_209] : memref<20000x128xf32, #tpu.memory_space<hbm>> -> memref<20000x128xf32, #tpu.memory_space<hbm>>
        tpu.wait_indirect_dma semaphore(%arg13 : memref<!tpu.dma_semaphore, #tpu.memory_space<semaphore_mem>>) src(%dma_wait3A_210 : memref<20000x128xf32, #tpu.memory_space<hbm>>) dst(%dma_wait3A_204 : memref<64x128xf32, #tpu.memory_space<vmem>>)
        %dma_wait3A_211 = arith.constant 0 : i32
        %dma_wait3A_212 = arith.constant 64 : i32
        %dma_wait3A_213 = arith.constant 0 : i32
        %dma_wait3A_214 = tpu.memref_slice %arg10[%dma_wait3A_212, %dma_wait3A_213] : memref<128x128xf32, #tpu.memory_space<vmem>> -> memref<64x128xf32, #tpu.memory_space<vmem>>
        %dma_wait3A_215 = arith.constant 0 : i32
        %dma_wait3A_216 = tpu.memref_slice %arg12[%dma_wait3A_211, %dma_wait3A_215] : memref<80x128xi32, #tpu.memory_space<vmem>> -> memref<1x64xi32, #tpu.memory_space<vmem>>
        %dma_wait3A_217 = tpu.memref_squeeze %dma_wait3A_216 : memref<1x64xi32, #tpu.memory_space<vmem>> -> memref<64xi32, #tpu.memory_space<vmem>>
        %dma_wait3A_218 = arith.constant 0 : i32
        %dma_wait3A_219 = arith.constant 0 : i32
        %dma_wait3A_220 = tpu.memref_slice %arg2[%dma_wait3A_218, %dma_wait3A_219] : memref<20000x128xf32, #tpu.memory_space<hbm>> -> memref<20000x128xf32, #tpu.memory_space<hbm>>
        tpu.wait_indirect_dma semaphore(%arg13 : memref<!tpu.dma_semaphore, #tpu.memory_space<semaphore_mem>>) src(%dma_wait3A_220 : memref<20000x128xf32, #tpu.memory_space<hbm>>) dst(%dma_wait3A_214 : memref<64x128xf32, #tpu.memory_space<vmem>>)
        %mul3A_221 = arith.constant 2 : i32
        %mul3A_222 = arith.muli %mul3A_221, %mul3A_201 : i32
        %add3A_223 = arith.constant 1 : i32
        %add3A_224 = arith.addi %mul3A_222, %add3A_223 : i32
        "tpu.region"() ({
          %run_scoped3A = tpu.sem_alloc : memref<!tpu.dma_semaphore, #tpu.memory_space<semaphore_mem>>
          %dma_start3A_259 = arith.constant 0 : i32
          %dma_start3A_260 = tpu.memref_slice %arg12[%add3A_224, %dma_start3A_259] : memref<80x128xi32, #tpu.memory_space<vmem>> -> memref<1x128xi32, #tpu.memory_space<vmem>>
          %dma_start3A_261 = tpu.memref_squeeze %dma_start3A_260 : memref<1x128xi32, #tpu.memory_space<vmem>> -> memref<128xi32, #tpu.memory_space<vmem>>
          %dma_start3A_262 = arith.constant 0 : i32
          %dma_start3A_263 = arith.constant 0 : i32
          %dma_start3A_264 = tpu.memref_slice %arg9[%dma_start3A_262, %dma_start3A_263] : memref<10112x128xf32, #tpu.memory_space<vmem_shared>> -> memref<10112x128xf32, #tpu.memory_space<vmem_shared>>
          tpu.enqueue_indirect_dma source(%arg10 : memref<128x128xf32, #tpu.memory_space<vmem>>) target(%dma_start3A_264 : memref<10112x128xf32, #tpu.memory_space<vmem_shared>>) offsets(%dma_start3A_261 : memref<128xi32, #tpu.memory_space<vmem>>) semaphore(%run_scoped3A : memref<!tpu.dma_semaphore, #tpu.memory_space<semaphore_mem>>) {add = true}
          %dma_wait3A_265 = arith.constant 0 : i32
          %dma_wait3A_266 = tpu.memref_slice %arg12[%add3A_224, %dma_wait3A_265] : memref<80x128xi32, #tpu.memory_space<vmem>> -> memref<1x128xi32, #tpu.memory_space<vmem>>
          %dma_wait3A_267 = tpu.memref_squeeze %dma_wait3A_266 : memref<1x128xi32, #tpu.memory_space<vmem>> -> memref<128xi32, #tpu.memory_space<vmem>>
          %dma_wait3A_268 = arith.constant 0 : i32
          %dma_wait3A_269 = arith.constant 0 : i32
          %dma_wait3A_270 = tpu.memref_slice %arg9[%dma_wait3A_268, %dma_wait3A_269] : memref<10112x128xf32, #tpu.memory_space<vmem_shared>> -> memref<10112x128xf32, #tpu.memory_space<vmem_shared>>
          tpu.wait_indirect_dma semaphore(%run_scoped3A : memref<!tpu.dma_semaphore, #tpu.memory_space<semaphore_mem>>) src(%arg10 : memref<128x128xf32, #tpu.memory_space<vmem>>) dst(%dma_wait3A_270 : memref<10112x128xf32, #tpu.memory_space<vmem_shared>>)
          tpu.yield
        }) : () -> ()
        %lt3A = arith.constant 19 : i32
        %lt3A_225 = arith.cmpi slt, %scan3A_198, %lt3A : i32
        %convert_element_type3A_226 = arith.extui %lt3A_225 : i1 to i32
        %cond3A_227 = arith.constant 0 : i32
        %cond3A_228 = arith.cmpi ne, %convert_element_type3A_226, %cond3A_227 : i32
        scf.if %cond3A_228 {
          %add3A_259 = arith.constant 2 : i32
          %add3A_260 = arith.addi %mul3A_201, %add3A_259 : i32
          %mul3A_261 = arith.constant 2 : i32
          %mul3A_262 = arith.muli %mul3A_261, %add3A_260 : i32
          %dma_start3A_263 = arith.constant 0 : i32
          %dma_start3A_264 = arith.constant 0 : i32
          %dma_start3A_265 = tpu.memref_slice %arg10[%dma_start3A_263, %dma_start3A_264] : memref<128x128xf32, #tpu.memory_space<vmem>> -> memref<64x128xf32, #tpu.memory_space<vmem>>
          %dma_start3A_266 = arith.constant 0 : i32
          %dma_start3A_267 = tpu.memref_slice %arg12[%mul3A_262, %dma_start3A_266] : memref<80x128xi32, #tpu.memory_space<vmem>> -> memref<1x64xi32, #tpu.memory_space<vmem>>
          %dma_start3A_268 = tpu.memref_squeeze %dma_start3A_267 : memref<1x64xi32, #tpu.memory_space<vmem>> -> memref<64xi32, #tpu.memory_space<vmem>>
          %dma_start3A_269 = arith.constant 0 : i32
          %dma_start3A_270 = arith.constant 0 : i32
          %dma_start3A_271 = tpu.memref_slice %arg2[%dma_start3A_269, %dma_start3A_270] : memref<20000x128xf32, #tpu.memory_space<hbm>> -> memref<20000x128xf32, #tpu.memory_space<hbm>>
          tpu.enqueue_indirect_dma source(%dma_start3A_271 : memref<20000x128xf32, #tpu.memory_space<hbm>>) target(%dma_start3A_265 : memref<64x128xf32, #tpu.memory_space<vmem>>) offsets(%dma_start3A_268 : memref<64xi32, #tpu.memory_space<vmem>>) semaphore(%arg13 : memref<!tpu.dma_semaphore, #tpu.memory_space<semaphore_mem>>)
          %mul3A_272 = arith.constant 2 : i32
          %mul3A_273 = arith.muli %mul3A_272, %add3A_260 : i32
          %dma_start3A_274 = arith.constant 64 : i32
          %dma_start3A_275 = arith.constant 0 : i32
          %dma_start3A_276 = tpu.memref_slice %arg10[%dma_start3A_274, %dma_start3A_275] : memref<128x128xf32, #tpu.memory_space<vmem>> -> memref<64x128xf32, #tpu.memory_space<vmem>>
          %dma_start3A_277 = arith.constant 64 : i32
          %dma_start3A_278 = tpu.memref_slice %arg12[%mul3A_273, %dma_start3A_277] : memref<80x128xi32, #tpu.memory_space<vmem>> -> memref<1x64xi32, #tpu.memory_space<vmem>>
          %dma_start3A_279 = tpu.memref_squeeze %dma_start3A_278 : memref<1x64xi32, #tpu.memory_space<vmem>> -> memref<64xi32, #tpu.memory_space<vmem>>
          %dma_start3A_280 = arith.constant 0 : i32
          %dma_start3A_281 = arith.constant 0 : i32
          %dma_start3A_282 = tpu.memref_slice %arg2[%dma_start3A_280, %dma_start3A_281] : memref<20000x128xf32, #tpu.memory_space<hbm>> -> memref<20000x128xf32, #tpu.memory_space<hbm>>
          tpu.enqueue_indirect_dma source(%dma_start3A_282 : memref<20000x128xf32, #tpu.memory_space<hbm>>) target(%dma_start3A_276 : memref<64x128xf32, #tpu.memory_space<vmem>>) offsets(%dma_start3A_279 : memref<64xi32, #tpu.memory_space<vmem>>) semaphore(%arg13 : memref<!tpu.dma_semaphore, #tpu.memory_space<semaphore_mem>>)
        } else {
        }
        %dma_wait3A_229 = arith.constant 0 : i32
        %dma_wait3A_230 = arith.constant 0 : i32
        %dma_wait3A_231 = arith.constant 0 : i32
        %dma_wait3A_232 = tpu.memref_slice %arg11[%dma_wait3A_230, %dma_wait3A_231] : memref<128x128xf32, #tpu.memory_space<vmem>> -> memref<64x128xf32, #tpu.memory_space<vmem>>
        %dma_wait3A_233 = arith.constant 0 : i32
        %dma_wait3A_234 = tpu.memref_slice %arg12[%dma_wait3A_229, %dma_wait3A_233] : memref<80x128xi32, #tpu.memory_space<vmem>> -> memref<1x64xi32, #tpu.memory_space<vmem>>
        %dma_wait3A_235 = tpu.memref_squeeze %dma_wait3A_234 : memref<1x64xi32, #tpu.memory_space<vmem>> -> memref<64xi32, #tpu.memory_space<vmem>>
        %dma_wait3A_236 = arith.constant 0 : i32
        %dma_wait3A_237 = arith.constant 0 : i32
        %dma_wait3A_238 = tpu.memref_slice %arg2[%dma_wait3A_236, %dma_wait3A_237] : memref<20000x128xf32, #tpu.memory_space<hbm>> -> memref<20000x128xf32, #tpu.memory_space<hbm>>
        tpu.wait_indirect_dma semaphore(%arg14 : memref<!tpu.dma_semaphore, #tpu.memory_space<semaphore_mem>>) src(%dma_wait3A_238 : memref<20000x128xf32, #tpu.memory_space<hbm>>) dst(%dma_wait3A_232 : memref<64x128xf32, #tpu.memory_space<vmem>>)
        %dma_wait3A_239 = arith.constant 0 : i32
        %dma_wait3A_240 = arith.constant 64 : i32
        %dma_wait3A_241 = arith.constant 0 : i32
        %dma_wait3A_242 = tpu.memref_slice %arg11[%dma_wait3A_240, %dma_wait3A_241] : memref<128x128xf32, #tpu.memory_space<vmem>> -> memref<64x128xf32, #tpu.memory_space<vmem>>
        %dma_wait3A_243 = arith.constant 0 : i32
        %dma_wait3A_244 = tpu.memref_slice %arg12[%dma_wait3A_239, %dma_wait3A_243] : memref<80x128xi32, #tpu.memory_space<vmem>> -> memref<1x64xi32, #tpu.memory_space<vmem>>
        %dma_wait3A_245 = tpu.memref_squeeze %dma_wait3A_244 : memref<1x64xi32, #tpu.memory_space<vmem>> -> memref<64xi32, #tpu.memory_space<vmem>>
        %dma_wait3A_246 = arith.constant 0 : i32
        %dma_wait3A_247 = arith.constant 0 : i32
        %dma_wait3A_248 = tpu.memref_slice %arg2[%dma_wait3A_246, %dma_wait3A_247] : memref<20000x128xf32, #tpu.memory_space<hbm>> -> memref<20000x128xf32, #tpu.memory_space<hbm>>
        tpu.wait_indirect_dma semaphore(%arg14 : memref<!tpu.dma_semaphore, #tpu.memory_space<semaphore_mem>>) src(%dma_wait3A_248 : memref<20000x128xf32, #tpu.memory_space<hbm>>) dst(%dma_wait3A_242 : memref<64x128xf32, #tpu.memory_space<vmem>>)
        %mul3A_249 = arith.constant 2 : i32
        %mul3A_250 = arith.muli %mul3A_249, %mul3A_201 : i32
        %add3A_251 = arith.constant 3 : i32
        %add3A_252 = arith.addi %mul3A_250, %add3A_251 : i32
        "tpu.region"() ({
          %run_scoped3A = tpu.sem_alloc : memref<!tpu.dma_semaphore, #tpu.memory_space<semaphore_mem>>
          %dma_start3A_259 = arith.constant 0 : i32
          %dma_start3A_260 = tpu.memref_slice %arg12[%add3A_252, %dma_start3A_259] : memref<80x128xi32, #tpu.memory_space<vmem>> -> memref<1x128xi32, #tpu.memory_space<vmem>>
          %dma_start3A_261 = tpu.memref_squeeze %dma_start3A_260 : memref<1x128xi32, #tpu.memory_space<vmem>> -> memref<128xi32, #tpu.memory_space<vmem>>
          %dma_start3A_262 = arith.constant 0 : i32
          %dma_start3A_263 = arith.constant 0 : i32
          %dma_start3A_264 = tpu.memref_slice %arg9[%dma_start3A_262, %dma_start3A_263] : memref<10112x128xf32, #tpu.memory_space<vmem_shared>> -> memref<10112x128xf32, #tpu.memory_space<vmem_shared>>
          tpu.enqueue_indirect_dma source(%arg11 : memref<128x128xf32, #tpu.memory_space<vmem>>) target(%dma_start3A_264 : memref<10112x128xf32, #tpu.memory_space<vmem_shared>>) offsets(%dma_start3A_261 : memref<128xi32, #tpu.memory_space<vmem>>) semaphore(%run_scoped3A : memref<!tpu.dma_semaphore, #tpu.memory_space<semaphore_mem>>) {add = true}
          %dma_wait3A_265 = arith.constant 0 : i32
          %dma_wait3A_266 = tpu.memref_slice %arg12[%add3A_252, %dma_wait3A_265] : memref<80x128xi32, #tpu.memory_space<vmem>> -> memref<1x128xi32, #tpu.memory_space<vmem>>
          %dma_wait3A_267 = tpu.memref_squeeze %dma_wait3A_266 : memref<1x128xi32, #tpu.memory_space<vmem>> -> memref<128xi32, #tpu.memory_space<vmem>>
          %dma_wait3A_268 = arith.constant 0 : i32
          %dma_wait3A_269 = arith.constant 0 : i32
          %dma_wait3A_270 = tpu.memref_slice %arg9[%dma_wait3A_268, %dma_wait3A_269] : memref<10112x128xf32, #tpu.memory_space<vmem_shared>> -> memref<10112x128xf32, #tpu.memory_space<vmem_shared>>
          tpu.wait_indirect_dma semaphore(%run_scoped3A : memref<!tpu.dma_semaphore, #tpu.memory_space<semaphore_mem>>) src(%arg11 : memref<128x128xf32, #tpu.memory_space<vmem>>) dst(%dma_wait3A_270 : memref<10112x128xf32, #tpu.memory_space<vmem_shared>>)
          tpu.yield
        }) : () -> ()
        %lt3A_253 = arith.constant 19 : i32
        %lt3A_254 = arith.cmpi slt, %scan3A_198, %lt3A_253 : i32
        %convert_element_type3A_255 = arith.extui %lt3A_254 : i1 to i32
        %cond3A_256 = arith.constant 0 : i32
        %cond3A_257 = arith.cmpi ne, %convert_element_type3A_255, %cond3A_256 : i32
        scf.if %cond3A_257 {
          %add3A_259 = arith.constant 3 : i32
          %add3A_260 = arith.addi %mul3A_201, %add3A_259 : i32
          %mul3A_261 = arith.constant 2 : i32
          %mul3A_262 = arith.muli %mul3A_261, %add3A_260 : i32
          %dma_start3A_263 = arith.constant 0 : i32
          %dma_start3A_264 = arith.constant 0 : i32
          %dma_start3A_265 = tpu.memref_slice %arg11[%dma_start3A_263, %dma_start3A_264] : memref<128x128xf32, #tpu.memory_space<vmem>> -> memref<64x128xf32, #tpu.memory_space<vmem>>
          %dma_start3A_266 = arith.constant 0 : i32
          %dma_start3A_267 = tpu.memref_slice %arg12[%mul3A_262, %dma_start3A_266] : memref<80x128xi32, #tpu.memory_space<vmem>> -> memref<1x64xi32, #tpu.memory_space<vmem>>
          %dma_start3A_268 = tpu.memref_squeeze %dma_start3A_267 : memref<1x64xi32, #tpu.memory_space<vmem>> -> memref<64xi32, #tpu.memory_space<vmem>>
          %dma_start3A_269 = arith.constant 0 : i32
          %dma_start3A_270 = arith.constant 0 : i32
          %dma_start3A_271 = tpu.memref_slice %arg2[%dma_start3A_269, %dma_start3A_270] : memref<20000x128xf32, #tpu.memory_space<hbm>> -> memref<20000x128xf32, #tpu.memory_space<hbm>>
          tpu.enqueue_indirect_dma source(%dma_start3A_271 : memref<20000x128xf32, #tpu.memory_space<hbm>>) target(%dma_start3A_265 : memref<64x128xf32, #tpu.memory_space<vmem>>) offsets(%dma_start3A_268 : memref<64xi32, #tpu.memory_space<vmem>>) semaphore(%arg14 : memref<!tpu.dma_semaphore, #tpu.memory_space<semaphore_mem>>)
          %mul3A_272 = arith.constant 2 : i32
          %mul3A_273 = arith.muli %mul3A_272, %add3A_260 : i32
          %dma_start3A_274 = arith.constant 64 : i32
          %dma_start3A_275 = arith.constant 0 : i32
          %dma_start3A_276 = tpu.memref_slice %arg11[%dma_start3A_274, %dma_start3A_275] : memref<128x128xf32, #tpu.memory_space<vmem>> -> memref<64x128xf32, #tpu.memory_space<vmem>>
          %dma_start3A_277 = arith.constant 64 : i32
          %dma_start3A_278 = tpu.memref_slice %arg12[%mul3A_273, %dma_start3A_277] : memref<80x128xi32, #tpu.memory_space<vmem>> -> memref<1x64xi32, #tpu.memory_space<vmem>>
          %dma_start3A_279 = tpu.memref_squeeze %dma_start3A_278 : memref<1x64xi32, #tpu.memory_space<vmem>> -> memref<64xi32, #tpu.memory_space<vmem>>
          %dma_start3A_280 = arith.constant 0 : i32
          %dma_start3A_281 = arith.constant 0 : i32
          %dma_start3A_282 = tpu.memref_slice %arg2[%dma_start3A_280, %dma_start3A_281] : memref<20000x128xf32, #tpu.memory_space<hbm>> -> memref<20000x128xf32, #tpu.memory_space<hbm>>
          tpu.enqueue_indirect_dma source(%dma_start3A_282 : memref<20000x128xf32, #tpu.memory_space<hbm>>) target(%dma_start3A_276 : memref<64x128xf32, #tpu.memory_space<vmem>>) offsets(%dma_start3A_279 : memref<64xi32, #tpu.memory_space<vmem>>) semaphore(%arg14 : memref<!tpu.dma_semaphore, #tpu.memory_space<semaphore_mem>>)
        } else {
        }
        %scan3A_258 = arith.constant 0 : i32
        scf.yield %scan3A_258 : i32
      }
      %scan3A_144 = arith.constant 20 : i32
      %mul3A_145 = arith.constant 80 : i32
      %mul3A_146 = arith.muli %arg1, %mul3A_145 : i32
      %add3A_147 = arith.constant 40 : i32
      %add3A_148 = arith.addi %mul3A_146, %add3A_147 : i32
      %mul3A_149 = arith.constant 2 : i32
      %mul3A_150 = arith.muli %mul3A_149, %add3A_148 : i32
      "tpu.region"() ({
        %run_scoped3A = tpu.sem_alloc : memref<!tpu.dma_semaphore, #tpu.memory_space<semaphore_mem>>
        %dma_start3A_198 = arith.constant 0 : i32
        %dma_start3A_199 = tpu.memref_slice %arg3[%mul3A_150, %dma_start3A_198] : memref<2560x128xi32, #tpu.memory_space<hbm>> -> memref<80x128xi32, #tpu.memory_space<hbm>>
        %dma_start3A_200 = arith.constant 0 : i32
        %dma_start3A_201 = tpu.memref_slice %arg3[%mul3A_150, %dma_start3A_200] : memref<2560x128xi32, #tpu.memory_space<hbm>> -> memref<80x128xi32, #tpu.memory_space<hbm>>
        tpu.enqueue_dma source(%dma_start3A_201 : memref<80x128xi32, #tpu.memory_space<hbm>>) target(%arg12 : memref<80x128xi32, #tpu.memory_space<vmem>>) target_semaphore(%run_scoped3A : memref<!tpu.dma_semaphore, #tpu.memory_space<semaphore_mem>>)
        %dma_wait3A = arith.constant 0 : i32
        %dma_wait3A_202 = tpu.memref_slice %arg3[%mul3A_150, %dma_wait3A] : memref<2560x128xi32, #tpu.memory_space<hbm>> -> memref<80x128xi32, #tpu.memory_space<hbm>>
        %dma_wait3A_203 = arith.constant 0 : i32
        %dma_wait3A_204 = tpu.memref_slice %arg3[%mul3A_150, %dma_wait3A_203] : memref<2560x128xi32, #tpu.memory_space<hbm>> -> memref<80x128xi32, #tpu.memory_space<hbm>>
        tpu.wait_dma2 semaphore(%run_scoped3A : memref<!tpu.dma_semaphore, #tpu.memory_space<semaphore_mem>>) src(%dma_wait3A_204 : memref<80x128xi32, #tpu.memory_space<hbm>>) dst(%arg12 : memref<80x128xi32, #tpu.memory_space<vmem>>)
        tpu.yield
      }) : () -> ()
      %dma_start3A_151 = arith.constant 0 : i32
      %dma_start3A_152 = arith.constant 0 : i32
      %dma_start3A_153 = arith.constant 0 : i32
      %dma_start3A_154 = tpu.memref_slice %arg10[%dma_start3A_152, %dma_start3A_153] : memref<128x128xf32, #tpu.memory_space<vmem>> -> memref<64x128xf32, #tpu.memory_space<vmem>>
      %dma_start3A_155 = arith.constant 0 : i32
      %dma_start3A_156 = tpu.memref_slice %arg12[%dma_start3A_151, %dma_start3A_155] : memref<80x128xi32, #tpu.memory_space<vmem>> -> memref<1x64xi32, #tpu.memory_space<vmem>>
      %dma_start3A_157 = tpu.memref_squeeze %dma_start3A_156 : memref<1x64xi32, #tpu.memory_space<vmem>> -> memref<64xi32, #tpu.memory_space<vmem>>
      %dma_start3A_158 = arith.constant 0 : i32
      %dma_start3A_159 = arith.constant 0 : i32
      %dma_start3A_160 = tpu.memref_slice %arg2[%dma_start3A_158, %dma_start3A_159] : memref<20000x128xf32, #tpu.memory_space<hbm>> -> memref<20000x128xf32, #tpu.memory_space<hbm>>
      tpu.enqueue_indirect_dma source(%dma_start3A_160 : memref<20000x128xf32, #tpu.memory_space<hbm>>) target(%dma_start3A_154 : memref<64x128xf32, #tpu.memory_space<vmem>>) offsets(%dma_start3A_157 : memref<64xi32, #tpu.memory_space<vmem>>) semaphore(%arg13 : memref<!tpu.dma_semaphore, #tpu.memory_space<semaphore_mem>>)
      %dma_start3A_161 = arith.constant 0 : i32
      %dma_start3A_162 = arith.constant 64 : i32
      %dma_start3A_163 = arith.constant 0 : i32
      %dma_start3A_164 = tpu.memref_slice %arg10[%dma_start3A_162, %dma_start3A_163] : memref<128x128xf32, #tpu.memory_space<vmem>> -> memref<64x128xf32, #tpu.memory_space<vmem>>
      %dma_start3A_165 = arith.constant 64 : i32
      %dma_start3A_166 = tpu.memref_slice %arg12[%dma_start3A_161, %dma_start3A_165] : memref<80x128xi32, #tpu.memory_space<vmem>> -> memref<1x64xi32, #tpu.memory_space<vmem>>
      %dma_start3A_167 = tpu.memref_squeeze %dma_start3A_166 : memref<1x64xi32, #tpu.memory_space<vmem>> -> memref<64xi32, #tpu.memory_space<vmem>>
      %dma_start3A_168 = arith.constant 0 : i32
      %dma_start3A_169 = arith.constant 0 : i32
      %dma_start3A_170 = tpu.memref_slice %arg2[%dma_start3A_168, %dma_start3A_169] : memref<20000x128xf32, #tpu.memory_space<hbm>> -> memref<20000x128xf32, #tpu.memory_space<hbm>>
      tpu.enqueue_indirect_dma source(%dma_start3A_170 : memref<20000x128xf32, #tpu.memory_space<hbm>>) target(%dma_start3A_164 : memref<64x128xf32, #tpu.memory_space<vmem>>) offsets(%dma_start3A_167 : memref<64xi32, #tpu.memory_space<vmem>>) semaphore(%arg13 : memref<!tpu.dma_semaphore, #tpu.memory_space<semaphore_mem>>)
      %dma_start3A_171 = arith.constant 2 : i32
      %dma_start3A_172 = arith.constant 0 : i32
      %dma_start3A_173 = arith.constant 0 : i32
      %dma_start3A_174 = tpu.memref_slice %arg11[%dma_start3A_172, %dma_start3A_173] : memref<128x128xf32, #tpu.memory_space<vmem>> -> memref<64x128xf32, #tpu.memory_space<vmem>>
      %dma_start3A_175 = arith.constant 0 : i32
      %dma_start3A_176 = tpu.memref_slice %arg12[%dma_start3A_171, %dma_start3A_175] : memref<80x128xi32, #tpu.memory_space<vmem>> -> memref<1x64xi32, #tpu.memory_space<vmem>>
      %dma_start3A_177 = tpu.memref_squeeze %dma_start3A_176 : memref<1x64xi32, #tpu.memory_space<vmem>> -> memref<64xi32, #tpu.memory_space<vmem>>
      %dma_start3A_178 = arith.constant 0 : i32
      %dma_start3A_179 = arith.constant 0 : i32
      %dma_start3A_180 = tpu.memref_slice %arg2[%dma_start3A_178, %dma_start3A_179] : memref<20000x128xf32, #tpu.memory_space<hbm>> -> memref<20000x128xf32, #tpu.memory_space<hbm>>
      tpu.enqueue_indirect_dma source(%dma_start3A_180 : memref<20000x128xf32, #tpu.memory_space<hbm>>) target(%dma_start3A_174 : memref<64x128xf32, #tpu.memory_space<vmem>>) offsets(%dma_start3A_177 : memref<64xi32, #tpu.memory_space<vmem>>) semaphore(%arg14 : memref<!tpu.dma_semaphore, #tpu.memory_space<semaphore_mem>>)
      %dma_start3A_181 = arith.constant 2 : i32
      %dma_start3A_182 = arith.constant 64 : i32
      %dma_start3A_183 = arith.constant 0 : i32
      %dma_start3A_184 = tpu.memref_slice %arg11[%dma_start3A_182, %dma_start3A_183] : memref<128x128xf32, #tpu.memory_space<vmem>> -> memref<64x128xf32, #tpu.memory_space<vmem>>
      %dma_start3A_185 = arith.constant 64 : i32
      %dma_start3A_186 = tpu.memref_slice %arg12[%dma_start3A_181, %dma_start3A_185] : memref<80x128xi32, #tpu.memory_space<vmem>> -> memref<1x64xi32, #tpu.memory_space<vmem>>
      %dma_start3A_187 = tpu.memref_squeeze %dma_start3A_186 : memref<1x64xi32, #tpu.memory_space<vmem>> -> memref<64xi32, #tpu.memory_space<vmem>>
      %dma_start3A_188 = arith.constant 0 : i32
      %dma_start3A_189 = arith.constant 0 : i32
      %dma_start3A_190 = tpu.memref_slice %arg2[%dma_start3A_188, %dma_start3A_189] : memref<20000x128xf32, #tpu.memory_space<hbm>> -> memref<20000x128xf32, #tpu.memory_space<hbm>>
      tpu.enqueue_indirect_dma source(%dma_start3A_190 : memref<20000x128xf32, #tpu.memory_space<hbm>>) target(%dma_start3A_184 : memref<64x128xf32, #tpu.memory_space<vmem>>) offsets(%dma_start3A_187 : memref<64xi32, #tpu.memory_space<vmem>>) semaphore(%arg14 : memref<!tpu.dma_semaphore, #tpu.memory_space<semaphore_mem>>)
      %scan3A_191 = arith.constant 0 : i32
      %scan3A_192 = arith.constant 0 : i32
      %scan3A_193 = arith.constant 20 : i32
      %scan3A_194 = arith.addi %scan3A_192, %scan3A_193 : i32
      %scan3A_195 = arith.constant 1 : i32
      %scan3A_196 = scf.for %scan3A_198 = %scan3A_192 to %scan3A_194 step %scan3A_195 iter_args(%scan3A_199 = %scan3A_191) -> (i32)  : i32 {
        %mul3A_200 = arith.constant 2 : i32
        %mul3A_201 = arith.muli %mul3A_200, %scan3A_198 : i32
        %dma_wait3A = arith.constant 0 : i32
        %dma_wait3A_202 = arith.constant 0 : i32
        %dma_wait3A_203 = arith.constant 0 : i32
        %dma_wait3A_204 = tpu.memref_slice %arg10[%dma_wait3A_202, %dma_wait3A_203] : memref<128x128xf32, #tpu.memory_space<vmem>> -> memref<64x128xf32, #tpu.memory_space<vmem>>
        %dma_wait3A_205 = arith.constant 0 : i32
        %dma_wait3A_206 = tpu.memref_slice %arg12[%dma_wait3A, %dma_wait3A_205] : memref<80x128xi32, #tpu.memory_space<vmem>> -> memref<1x64xi32, #tpu.memory_space<vmem>>
        %dma_wait3A_207 = tpu.memref_squeeze %dma_wait3A_206 : memref<1x64xi32, #tpu.memory_space<vmem>> -> memref<64xi32, #tpu.memory_space<vmem>>
        %dma_wait3A_208 = arith.constant 0 : i32
        %dma_wait3A_209 = arith.constant 0 : i32
        %dma_wait3A_210 = tpu.memref_slice %arg2[%dma_wait3A_208, %dma_wait3A_209] : memref<20000x128xf32, #tpu.memory_space<hbm>> -> memref<20000x128xf32, #tpu.memory_space<hbm>>
        tpu.wait_indirect_dma semaphore(%arg13 : memref<!tpu.dma_semaphore, #tpu.memory_space<semaphore_mem>>) src(%dma_wait3A_210 : memref<20000x128xf32, #tpu.memory_space<hbm>>) dst(%dma_wait3A_204 : memref<64x128xf32, #tpu.memory_space<vmem>>)
        %dma_wait3A_211 = arith.constant 0 : i32
        %dma_wait3A_212 = arith.constant 64 : i32
        %dma_wait3A_213 = arith.constant 0 : i32
        %dma_wait3A_214 = tpu.memref_slice %arg10[%dma_wait3A_212, %dma_wait3A_213] : memref<128x128xf32, #tpu.memory_space<vmem>> -> memref<64x128xf32, #tpu.memory_space<vmem>>
        %dma_wait3A_215 = arith.constant 0 : i32
        %dma_wait3A_216 = tpu.memref_slice %arg12[%dma_wait3A_211, %dma_wait3A_215] : memref<80x128xi32, #tpu.memory_space<vmem>> -> memref<1x64xi32, #tpu.memory_space<vmem>>
        %dma_wait3A_217 = tpu.memref_squeeze %dma_wait3A_216 : memref<1x64xi32, #tpu.memory_space<vmem>> -> memref<64xi32, #tpu.memory_space<vmem>>
        %dma_wait3A_218 = arith.constant 0 : i32
        %dma_wait3A_219 = arith.constant 0 : i32
        %dma_wait3A_220 = tpu.memref_slice %arg2[%dma_wait3A_218, %dma_wait3A_219] : memref<20000x128xf32, #tpu.memory_space<hbm>> -> memref<20000x128xf32, #tpu.memory_space<hbm>>
        tpu.wait_indirect_dma semaphore(%arg13 : memref<!tpu.dma_semaphore, #tpu.memory_space<semaphore_mem>>) src(%dma_wait3A_220 : memref<20000x128xf32, #tpu.memory_space<hbm>>) dst(%dma_wait3A_214 : memref<64x128xf32, #tpu.memory_space<vmem>>)
        %mul3A_221 = arith.constant 2 : i32
        %mul3A_222 = arith.muli %mul3A_221, %mul3A_201 : i32
        %add3A_223 = arith.constant 1 : i32
        %add3A_224 = arith.addi %mul3A_222, %add3A_223 : i32
        "tpu.region"() ({
          %run_scoped3A = tpu.sem_alloc : memref<!tpu.dma_semaphore, #tpu.memory_space<semaphore_mem>>
          %dma_start3A_259 = arith.constant 0 : i32
          %dma_start3A_260 = tpu.memref_slice %arg12[%add3A_224, %dma_start3A_259] : memref<80x128xi32, #tpu.memory_space<vmem>> -> memref<1x128xi32, #tpu.memory_space<vmem>>
          %dma_start3A_261 = tpu.memref_squeeze %dma_start3A_260 : memref<1x128xi32, #tpu.memory_space<vmem>> -> memref<128xi32, #tpu.memory_space<vmem>>
          %dma_start3A_262 = arith.constant 0 : i32
          %dma_start3A_263 = arith.constant 0 : i32
          %dma_start3A_264 = tpu.memref_slice %arg9[%dma_start3A_262, %dma_start3A_263] : memref<10112x128xf32, #tpu.memory_space<vmem_shared>> -> memref<10112x128xf32, #tpu.memory_space<vmem_shared>>
          tpu.enqueue_indirect_dma source(%arg10 : memref<128x128xf32, #tpu.memory_space<vmem>>) target(%dma_start3A_264 : memref<10112x128xf32, #tpu.memory_space<vmem_shared>>) offsets(%dma_start3A_261 : memref<128xi32, #tpu.memory_space<vmem>>) semaphore(%run_scoped3A : memref<!tpu.dma_semaphore, #tpu.memory_space<semaphore_mem>>) {add = true}
          %dma_wait3A_265 = arith.constant 0 : i32
          %dma_wait3A_266 = tpu.memref_slice %arg12[%add3A_224, %dma_wait3A_265] : memref<80x128xi32, #tpu.memory_space<vmem>> -> memref<1x128xi32, #tpu.memory_space<vmem>>
          %dma_wait3A_267 = tpu.memref_squeeze %dma_wait3A_266 : memref<1x128xi32, #tpu.memory_space<vmem>> -> memref<128xi32, #tpu.memory_space<vmem>>
          %dma_wait3A_268 = arith.constant 0 : i32
          %dma_wait3A_269 = arith.constant 0 : i32
          %dma_wait3A_270 = tpu.memref_slice %arg9[%dma_wait3A_268, %dma_wait3A_269] : memref<10112x128xf32, #tpu.memory_space<vmem_shared>> -> memref<10112x128xf32, #tpu.memory_space<vmem_shared>>
          tpu.wait_indirect_dma semaphore(%run_scoped3A : memref<!tpu.dma_semaphore, #tpu.memory_space<semaphore_mem>>) src(%arg10 : memref<128x128xf32, #tpu.memory_space<vmem>>) dst(%dma_wait3A_270 : memref<10112x128xf32, #tpu.memory_space<vmem_shared>>)
          tpu.yield
        }) : () -> ()
        %lt3A = arith.constant 19 : i32
        %lt3A_225 = arith.cmpi slt, %scan3A_198, %lt3A : i32
        %convert_element_type3A_226 = arith.extui %lt3A_225 : i1 to i32
        %cond3A_227 = arith.constant 0 : i32
        %cond3A_228 = arith.cmpi ne, %convert_element_type3A_226, %cond3A_227 : i32
        scf.if %cond3A_228 {
          %add3A_259 = arith.constant 2 : i32
          %add3A_260 = arith.addi %mul3A_201, %add3A_259 : i32
          %mul3A_261 = arith.constant 2 : i32
          %mul3A_262 = arith.muli %mul3A_261, %add3A_260 : i32
          %dma_start3A_263 = arith.constant 0 : i32
          %dma_start3A_264 = arith.constant 0 : i32
          %dma_start3A_265 = tpu.memref_slice %arg10[%dma_start3A_263, %dma_start3A_264] : memref<128x128xf32, #tpu.memory_space<vmem>> -> memref<64x128xf32, #tpu.memory_space<vmem>>
          %dma_start3A_266 = arith.constant 0 : i32
          %dma_start3A_267 = tpu.memref_slice %arg12[%mul3A_262, %dma_start3A_266] : memref<80x128xi32, #tpu.memory_space<vmem>> -> memref<1x64xi32, #tpu.memory_space<vmem>>
          %dma_start3A_268 = tpu.memref_squeeze %dma_start3A_267 : memref<1x64xi32, #tpu.memory_space<vmem>> -> memref<64xi32, #tpu.memory_space<vmem>>
          %dma_start3A_269 = arith.constant 0 : i32
          %dma_start3A_270 = arith.constant 0 : i32
          %dma_start3A_271 = tpu.memref_slice %arg2[%dma_start3A_269, %dma_start3A_270] : memref<20000x128xf32, #tpu.memory_space<hbm>> -> memref<20000x128xf32, #tpu.memory_space<hbm>>
          tpu.enqueue_indirect_dma source(%dma_start3A_271 : memref<20000x128xf32, #tpu.memory_space<hbm>>) target(%dma_start3A_265 : memref<64x128xf32, #tpu.memory_space<vmem>>) offsets(%dma_start3A_268 : memref<64xi32, #tpu.memory_space<vmem>>) semaphore(%arg13 : memref<!tpu.dma_semaphore, #tpu.memory_space<semaphore_mem>>)
          %mul3A_272 = arith.constant 2 : i32
          %mul3A_273 = arith.muli %mul3A_272, %add3A_260 : i32
          %dma_start3A_274 = arith.constant 64 : i32
          %dma_start3A_275 = arith.constant 0 : i32
          %dma_start3A_276 = tpu.memref_slice %arg10[%dma_start3A_274, %dma_start3A_275] : memref<128x128xf32, #tpu.memory_space<vmem>> -> memref<64x128xf32, #tpu.memory_space<vmem>>
          %dma_start3A_277 = arith.constant 64 : i32
          %dma_start3A_278 = tpu.memref_slice %arg12[%mul3A_273, %dma_start3A_277] : memref<80x128xi32, #tpu.memory_space<vmem>> -> memref<1x64xi32, #tpu.memory_space<vmem>>
          %dma_start3A_279 = tpu.memref_squeeze %dma_start3A_278 : memref<1x64xi32, #tpu.memory_space<vmem>> -> memref<64xi32, #tpu.memory_space<vmem>>
          %dma_start3A_280 = arith.constant 0 : i32
          %dma_start3A_281 = arith.constant 0 : i32
          %dma_start3A_282 = tpu.memref_slice %arg2[%dma_start3A_280, %dma_start3A_281] : memref<20000x128xf32, #tpu.memory_space<hbm>> -> memref<20000x128xf32, #tpu.memory_space<hbm>>
          tpu.enqueue_indirect_dma source(%dma_start3A_282 : memref<20000x128xf32, #tpu.memory_space<hbm>>) target(%dma_start3A_276 : memref<64x128xf32, #tpu.memory_space<vmem>>) offsets(%dma_start3A_279 : memref<64xi32, #tpu.memory_space<vmem>>) semaphore(%arg13 : memref<!tpu.dma_semaphore, #tpu.memory_space<semaphore_mem>>)
        } else {
        }
        %dma_wait3A_229 = arith.constant 0 : i32
        %dma_wait3A_230 = arith.constant 0 : i32
        %dma_wait3A_231 = arith.constant 0 : i32
        %dma_wait3A_232 = tpu.memref_slice %arg11[%dma_wait3A_230, %dma_wait3A_231] : memref<128x128xf32, #tpu.memory_space<vmem>> -> memref<64x128xf32, #tpu.memory_space<vmem>>
        %dma_wait3A_233 = arith.constant 0 : i32
        %dma_wait3A_234 = tpu.memref_slice %arg12[%dma_wait3A_229, %dma_wait3A_233] : memref<80x128xi32, #tpu.memory_space<vmem>> -> memref<1x64xi32, #tpu.memory_space<vmem>>
        %dma_wait3A_235 = tpu.memref_squeeze %dma_wait3A_234 : memref<1x64xi32, #tpu.memory_space<vmem>> -> memref<64xi32, #tpu.memory_space<vmem>>
        %dma_wait3A_236 = arith.constant 0 : i32
        %dma_wait3A_237 = arith.constant 0 : i32
        %dma_wait3A_238 = tpu.memref_slice %arg2[%dma_wait3A_236, %dma_wait3A_237] : memref<20000x128xf32, #tpu.memory_space<hbm>> -> memref<20000x128xf32, #tpu.memory_space<hbm>>
        tpu.wait_indirect_dma semaphore(%arg14 : memref<!tpu.dma_semaphore, #tpu.memory_space<semaphore_mem>>) src(%dma_wait3A_238 : memref<20000x128xf32, #tpu.memory_space<hbm>>) dst(%dma_wait3A_232 : memref<64x128xf32, #tpu.memory_space<vmem>>)
        %dma_wait3A_239 = arith.constant 0 : i32
        %dma_wait3A_240 = arith.constant 64 : i32
        %dma_wait3A_241 = arith.constant 0 : i32
        %dma_wait3A_242 = tpu.memref_slice %arg11[%dma_wait3A_240, %dma_wait3A_241] : memref<128x128xf32, #tpu.memory_space<vmem>> -> memref<64x128xf32, #tpu.memory_space<vmem>>
        %dma_wait3A_243 = arith.constant 0 : i32
        %dma_wait3A_244 = tpu.memref_slice %arg12[%dma_wait3A_239, %dma_wait3A_243] : memref<80x128xi32, #tpu.memory_space<vmem>> -> memref<1x64xi32, #tpu.memory_space<vmem>>
        %dma_wait3A_245 = tpu.memref_squeeze %dma_wait3A_244 : memref<1x64xi32, #tpu.memory_space<vmem>> -> memref<64xi32, #tpu.memory_space<vmem>>
        %dma_wait3A_246 = arith.constant 0 : i32
        %dma_wait3A_247 = arith.constant 0 : i32
        %dma_wait3A_248 = tpu.memref_slice %arg2[%dma_wait3A_246, %dma_wait3A_247] : memref<20000x128xf32, #tpu.memory_space<hbm>> -> memref<20000x128xf32, #tpu.memory_space<hbm>>
        tpu.wait_indirect_dma semaphore(%arg14 : memref<!tpu.dma_semaphore, #tpu.memory_space<semaphore_mem>>) src(%dma_wait3A_248 : memref<20000x128xf32, #tpu.memory_space<hbm>>) dst(%dma_wait3A_242 : memref<64x128xf32, #tpu.memory_space<vmem>>)
        %mul3A_249 = arith.constant 2 : i32
        %mul3A_250 = arith.muli %mul3A_249, %mul3A_201 : i32
        %add3A_251 = arith.constant 3 : i32
        %add3A_252 = arith.addi %mul3A_250, %add3A_251 : i32
        "tpu.region"() ({
          %run_scoped3A = tpu.sem_alloc : memref<!tpu.dma_semaphore, #tpu.memory_space<semaphore_mem>>
          %dma_start3A_259 = arith.constant 0 : i32
          %dma_start3A_260 = tpu.memref_slice %arg12[%add3A_252, %dma_start3A_259] : memref<80x128xi32, #tpu.memory_space<vmem>> -> memref<1x128xi32, #tpu.memory_space<vmem>>
          %dma_start3A_261 = tpu.memref_squeeze %dma_start3A_260 : memref<1x128xi32, #tpu.memory_space<vmem>> -> memref<128xi32, #tpu.memory_space<vmem>>
          %dma_start3A_262 = arith.constant 0 : i32
          %dma_start3A_263 = arith.constant 0 : i32
          %dma_start3A_264 = tpu.memref_slice %arg9[%dma_start3A_262, %dma_start3A_263] : memref<10112x128xf32, #tpu.memory_space<vmem_shared>> -> memref<10112x128xf32, #tpu.memory_space<vmem_shared>>
          tpu.enqueue_indirect_dma source(%arg11 : memref<128x128xf32, #tpu.memory_space<vmem>>) target(%dma_start3A_264 : memref<10112x128xf32, #tpu.memory_space<vmem_shared>>) offsets(%dma_start3A_261 : memref<128xi32, #tpu.memory_space<vmem>>) semaphore(%run_scoped3A : memref<!tpu.dma_semaphore, #tpu.memory_space<semaphore_mem>>) {add = true}
          %dma_wait3A_265 = arith.constant 0 : i32
          %dma_wait3A_266 = tpu.memref_slice %arg12[%add3A_252, %dma_wait3A_265] : memref<80x128xi32, #tpu.memory_space<vmem>> -> memref<1x128xi32, #tpu.memory_space<vmem>>
          %dma_wait3A_267 = tpu.memref_squeeze %dma_wait3A_266 : memref<1x128xi32, #tpu.memory_space<vmem>> -> memref<128xi32, #tpu.memory_space<vmem>>
          %dma_wait3A_268 = arith.constant 0 : i32
          %dma_wait3A_269 = arith.constant 0 : i32
          %dma_wait3A_270 = tpu.memref_slice %arg9[%dma_wait3A_268, %dma_wait3A_269] : memref<10112x128xf32, #tpu.memory_space<vmem_shared>> -> memref<10112x128xf32, #tpu.memory_space<vmem_shared>>
          tpu.wait_indirect_dma semaphore(%run_scoped3A : memref<!tpu.dma_semaphore, #tpu.memory_space<semaphore_mem>>) src(%arg11 : memref<128x128xf32, #tpu.memory_space<vmem>>) dst(%dma_wait3A_270 : memref<10112x128xf32, #tpu.memory_space<vmem_shared>>)
          tpu.yield
        }) : () -> ()
        %lt3A_253 = arith.constant 19 : i32
        %lt3A_254 = arith.cmpi slt, %scan3A_198, %lt3A_253 : i32
        %convert_element_type3A_255 = arith.extui %lt3A_254 : i1 to i32
        %cond3A_256 = arith.constant 0 : i32
        %cond3A_257 = arith.cmpi ne, %convert_element_type3A_255, %cond3A_256 : i32
        scf.if %cond3A_257 {
          %add3A_259 = arith.constant 3 : i32
          %add3A_260 = arith.addi %mul3A_201, %add3A_259 : i32
          %mul3A_261 = arith.constant 2 : i32
          %mul3A_262 = arith.muli %mul3A_261, %add3A_260 : i32
          %dma_start3A_263 = arith.constant 0 : i32
          %dma_start3A_264 = arith.constant 0 : i32
          %dma_start3A_265 = tpu.memref_slice %arg11[%dma_start3A_263, %dma_start3A_264] : memref<128x128xf32, #tpu.memory_space<vmem>> -> memref<64x128xf32, #tpu.memory_space<vmem>>
          %dma_start3A_266 = arith.constant 0 : i32
          %dma_start3A_267 = tpu.memref_slice %arg12[%mul3A_262, %dma_start3A_266] : memref<80x128xi32, #tpu.memory_space<vmem>> -> memref<1x64xi32, #tpu.memory_space<vmem>>
          %dma_start3A_268 = tpu.memref_squeeze %dma_start3A_267 : memref<1x64xi32, #tpu.memory_space<vmem>> -> memref<64xi32, #tpu.memory_space<vmem>>
          %dma_start3A_269 = arith.constant 0 : i32
          %dma_start3A_270 = arith.constant 0 : i32
          %dma_start3A_271 = tpu.memref_slice %arg2[%dma_start3A_269, %dma_start3A_270] : memref<20000x128xf32, #tpu.memory_space<hbm>> -> memref<20000x128xf32, #tpu.memory_space<hbm>>
          tpu.enqueue_indirect_dma source(%dma_start3A_271 : memref<20000x128xf32, #tpu.memory_space<hbm>>) target(%dma_start3A_265 : memref<64x128xf32, #tpu.memory_space<vmem>>) offsets(%dma_start3A_268 : memref<64xi32, #tpu.memory_space<vmem>>) semaphore(%arg14 : memref<!tpu.dma_semaphore, #tpu.memory_space<semaphore_mem>>)
          %mul3A_272 = arith.constant 2 : i32
          %mul3A_273 = arith.muli %mul3A_272, %add3A_260 : i32
          %dma_start3A_274 = arith.constant 64 : i32
          %dma_start3A_275 = arith.constant 0 : i32
          %dma_start3A_276 = tpu.memref_slice %arg11[%dma_start3A_274, %dma_start3A_275] : memref<128x128xf32, #tpu.memory_space<vmem>> -> memref<64x128xf32, #tpu.memory_space<vmem>>
          %dma_start3A_277 = arith.constant 64 : i32
          %dma_start3A_278 = tpu.memref_slice %arg12[%mul3A_273, %dma_start3A_277] : memref<80x128xi32, #tpu.memory_space<vmem>> -> memref<1x64xi32, #tpu.memory_space<vmem>>
          %dma_start3A_279 = tpu.memref_squeeze %dma_start3A_278 : memref<1x64xi32, #tpu.memory_space<vmem>> -> memref<64xi32, #tpu.memory_space<vmem>>
          %dma_start3A_280 = arith.constant 0 : i32
          %dma_start3A_281 = arith.constant 0 : i32
          %dma_start3A_282 = tpu.memref_slice %arg2[%dma_start3A_280, %dma_start3A_281] : memref<20000x128xf32, #tpu.memory_space<hbm>> -> memref<20000x128xf32, #tpu.memory_space<hbm>>
          tpu.enqueue_indirect_dma source(%dma_start3A_282 : memref<20000x128xf32, #tpu.memory_space<hbm>>) target(%dma_start3A_276 : memref<64x128xf32, #tpu.memory_space<vmem>>) offsets(%dma_start3A_279 : memref<64xi32, #tpu.memory_space<vmem>>) semaphore(%arg14 : memref<!tpu.dma_semaphore, #tpu.memory_space<semaphore_mem>>)
        } else {
        }
        %scan3A_258 = arith.constant 0 : i32
        scf.yield %scan3A_258 : i32
      }
      %scan3A_197 = arith.constant 20 : i32
    } else {
    }
    %eq3A_21 = arith.constant 1 : i32
    %eq3A_22 = arith.cmpi eq, %arg0, %eq3A_21 : i32
    %convert_element_type3A_23 = arith.extui %eq3A_22 : i1 to i32
    %cond3A_24 = arith.constant 0 : i32
    %cond3A_25 = arith.cmpi ne, %convert_element_type3A_23, %cond3A_24 : i32
    scf.if %cond3A_25 {
      %mul3A_93 = arith.constant 80 : i32
      %mul3A_94 = arith.muli %arg1, %mul3A_93 : i32
      %add3A_95 = arith.constant 0 : i32
      %add3A_96 = arith.addi %mul3A_94, %add3A_95 : i32
      %mul3A_97 = arith.constant 2 : i32
      %mul3A_98 = arith.muli %mul3A_97, %add3A_96 : i32
      "tpu.region"() ({
        %run_scoped3A = tpu.sem_alloc : memref<!tpu.dma_semaphore, #tpu.memory_space<semaphore_mem>>
        %dma_start3A_198 = arith.constant 0 : i32
        %dma_start3A_199 = tpu.memref_slice %arg4[%mul3A_98, %dma_start3A_198] : memref<2560x128xi32, #tpu.memory_space<hbm>> -> memref<80x128xi32, #tpu.memory_space<hbm>>
        %dma_start3A_200 = arith.constant 0 : i32
        %dma_start3A_201 = tpu.memref_slice %arg4[%mul3A_98, %dma_start3A_200] : memref<2560x128xi32, #tpu.memory_space<hbm>> -> memref<80x128xi32, #tpu.memory_space<hbm>>
        tpu.enqueue_dma source(%dma_start3A_201 : memref<80x128xi32, #tpu.memory_space<hbm>>) target(%arg12 : memref<80x128xi32, #tpu.memory_space<vmem>>) target_semaphore(%run_scoped3A : memref<!tpu.dma_semaphore, #tpu.memory_space<semaphore_mem>>)
        %dma_wait3A = arith.constant 0 : i32
        %dma_wait3A_202 = tpu.memref_slice %arg4[%mul3A_98, %dma_wait3A] : memref<2560x128xi32, #tpu.memory_space<hbm>> -> memref<80x128xi32, #tpu.memory_space<hbm>>
        %dma_wait3A_203 = arith.constant 0 : i32
        %dma_wait3A_204 = tpu.memref_slice %arg4[%mul3A_98, %dma_wait3A_203] : memref<2560x128xi32, #tpu.memory_space<hbm>> -> memref<80x128xi32, #tpu.memory_space<hbm>>
        tpu.wait_dma2 semaphore(%run_scoped3A : memref<!tpu.dma_semaphore, #tpu.memory_space<semaphore_mem>>) src(%dma_wait3A_204 : memref<80x128xi32, #tpu.memory_space<hbm>>) dst(%arg12 : memref<80x128xi32, #tpu.memory_space<vmem>>)
        tpu.yield
      }) : () -> ()
      %dma_start3A = arith.constant 0 : i32
      %dma_start3A_99 = arith.constant 0 : i32
      %dma_start3A_100 = arith.constant 0 : i32
      %dma_start3A_101 = tpu.memref_slice %arg10[%dma_start3A_99, %dma_start3A_100] : memref<128x128xf32, #tpu.memory_space<vmem>> -> memref<64x128xf32, #tpu.memory_space<vmem>>
      %dma_start3A_102 = arith.constant 0 : i32
      %dma_start3A_103 = tpu.memref_slice %arg12[%dma_start3A, %dma_start3A_102] : memref<80x128xi32, #tpu.memory_space<vmem>> -> memref<1x64xi32, #tpu.memory_space<vmem>>
      %dma_start3A_104 = tpu.memref_squeeze %dma_start3A_103 : memref<1x64xi32, #tpu.memory_space<vmem>> -> memref<64xi32, #tpu.memory_space<vmem>>
      %dma_start3A_105 = arith.constant 0 : i32
      %dma_start3A_106 = arith.constant 0 : i32
      %dma_start3A_107 = tpu.memref_slice %arg2[%dma_start3A_105, %dma_start3A_106] : memref<20000x128xf32, #tpu.memory_space<hbm>> -> memref<20000x128xf32, #tpu.memory_space<hbm>>
      tpu.enqueue_indirect_dma source(%dma_start3A_107 : memref<20000x128xf32, #tpu.memory_space<hbm>>) target(%dma_start3A_101 : memref<64x128xf32, #tpu.memory_space<vmem>>) offsets(%dma_start3A_104 : memref<64xi32, #tpu.memory_space<vmem>>) semaphore(%arg13 : memref<!tpu.dma_semaphore, #tpu.memory_space<semaphore_mem>>)
      %dma_start3A_108 = arith.constant 0 : i32
      %dma_start3A_109 = arith.constant 64 : i32
      %dma_start3A_110 = arith.constant 0 : i32
      %dma_start3A_111 = tpu.memref_slice %arg10[%dma_start3A_109, %dma_start3A_110] : memref<128x128xf32, #tpu.memory_space<vmem>> -> memref<64x128xf32, #tpu.memory_space<vmem>>
      %dma_start3A_112 = arith.constant 64 : i32
      %dma_start3A_113 = tpu.memref_slice %arg12[%dma_start3A_108, %dma_start3A_112] : memref<80x128xi32, #tpu.memory_space<vmem>> -> memref<1x64xi32, #tpu.memory_space<vmem>>
      %dma_start3A_114 = tpu.memref_squeeze %dma_start3A_113 : memref<1x64xi32, #tpu.memory_space<vmem>> -> memref<64xi32, #tpu.memory_space<vmem>>
      %dma_start3A_115 = arith.constant 0 : i32
      %dma_start3A_116 = arith.constant 0 : i32
      %dma_start3A_117 = tpu.memref_slice %arg2[%dma_start3A_115, %dma_start3A_116] : memref<20000x128xf32, #tpu.memory_space<hbm>> -> memref<20000x128xf32, #tpu.memory_space<hbm>>
      tpu.enqueue_indirect_dma source(%dma_start3A_117 : memref<20000x128xf32, #tpu.memory_space<hbm>>) target(%dma_start3A_111 : memref<64x128xf32, #tpu.memory_space<vmem>>) offsets(%dma_start3A_114 : memref<64xi32, #tpu.memory_space<vmem>>) semaphore(%arg13 : memref<!tpu.dma_semaphore, #tpu.memory_space<semaphore_mem>>)
      %dma_start3A_118 = arith.constant 2 : i32
      %dma_start3A_119 = arith.constant 0 : i32
      %dma_start3A_120 = arith.constant 0 : i32
      %dma_start3A_121 = tpu.memref_slice %arg11[%dma_start3A_119, %dma_start3A_120] : memref<128x128xf32, #tpu.memory_space<vmem>> -> memref<64x128xf32, #tpu.memory_space<vmem>>
      %dma_start3A_122 = arith.constant 0 : i32
      %dma_start3A_123 = tpu.memref_slice %arg12[%dma_start3A_118, %dma_start3A_122] : memref<80x128xi32, #tpu.memory_space<vmem>> -> memref<1x64xi32, #tpu.memory_space<vmem>>
      %dma_start3A_124 = tpu.memref_squeeze %dma_start3A_123 : memref<1x64xi32, #tpu.memory_space<vmem>> -> memref<64xi32, #tpu.memory_space<vmem>>
      %dma_start3A_125 = arith.constant 0 : i32
      %dma_start3A_126 = arith.constant 0 : i32
      %dma_start3A_127 = tpu.memref_slice %arg2[%dma_start3A_125, %dma_start3A_126] : memref<20000x128xf32, #tpu.memory_space<hbm>> -> memref<20000x128xf32, #tpu.memory_space<hbm>>
      tpu.enqueue_indirect_dma source(%dma_start3A_127 : memref<20000x128xf32, #tpu.memory_space<hbm>>) target(%dma_start3A_121 : memref<64x128xf32, #tpu.memory_space<vmem>>) offsets(%dma_start3A_124 : memref<64xi32, #tpu.memory_space<vmem>>) semaphore(%arg14 : memref<!tpu.dma_semaphore, #tpu.memory_space<semaphore_mem>>)
      %dma_start3A_128 = arith.constant 2 : i32
      %dma_start3A_129 = arith.constant 64 : i32
      %dma_start3A_130 = arith.constant 0 : i32
      %dma_start3A_131 = tpu.memref_slice %arg11[%dma_start3A_129, %dma_start3A_130] : memref<128x128xf32, #tpu.memory_space<vmem>> -> memref<64x128xf32, #tpu.memory_space<vmem>>
      %dma_start3A_132 = arith.constant 64 : i32
      %dma_start3A_133 = tpu.memref_slice %arg12[%dma_start3A_128, %dma_start3A_132] : memref<80x128xi32, #tpu.memory_space<vmem>> -> memref<1x64xi32, #tpu.memory_space<vmem>>
      %dma_start3A_134 = tpu.memref_squeeze %dma_start3A_133 : memref<1x64xi32, #tpu.memory_space<vmem>> -> memref<64xi32, #tpu.memory_space<vmem>>
      %dma_start3A_135 = arith.constant 0 : i32
      %dma_start3A_136 = arith.constant 0 : i32
      %dma_start3A_137 = tpu.memref_slice %arg2[%dma_start3A_135, %dma_start3A_136] : memref<20000x128xf32, #tpu.memory_space<hbm>> -> memref<20000x128xf32, #tpu.memory_space<hbm>>
      tpu.enqueue_indirect_dma source(%dma_start3A_137 : memref<20000x128xf32, #tpu.memory_space<hbm>>) target(%dma_start3A_131 : memref<64x128xf32, #tpu.memory_space<vmem>>) offsets(%dma_start3A_134 : memref<64xi32, #tpu.memory_space<vmem>>) semaphore(%arg14 : memref<!tpu.dma_semaphore, #tpu.memory_space<semaphore_mem>>)
      %scan3A_138 = arith.constant 0 : i32
      %scan3A_139 = arith.constant 0 : i32
      %scan3A_140 = arith.constant 20 : i32
      %scan3A_141 = arith.addi %scan3A_139, %scan3A_140 : i32
      %scan3A_142 = arith.constant 1 : i32
      %scan3A_143 = scf.for %scan3A_198 = %scan3A_139 to %scan3A_141 step %scan3A_142 iter_args(%scan3A_199 = %scan3A_138) -> (i32)  : i32 {
        %mul3A_200 = arith.constant 2 : i32
        %mul3A_201 = arith.muli %mul3A_200, %scan3A_198 : i32
        %dma_wait3A = arith.constant 0 : i32
        %dma_wait3A_202 = arith.constant 0 : i32
        %dma_wait3A_203 = arith.constant 0 : i32
        %dma_wait3A_204 = tpu.memref_slice %arg10[%dma_wait3A_202, %dma_wait3A_203] : memref<128x128xf32, #tpu.memory_space<vmem>> -> memref<64x128xf32, #tpu.memory_space<vmem>>
        %dma_wait3A_205 = arith.constant 0 : i32
        %dma_wait3A_206 = tpu.memref_slice %arg12[%dma_wait3A, %dma_wait3A_205] : memref<80x128xi32, #tpu.memory_space<vmem>> -> memref<1x64xi32, #tpu.memory_space<vmem>>
        %dma_wait3A_207 = tpu.memref_squeeze %dma_wait3A_206 : memref<1x64xi32, #tpu.memory_space<vmem>> -> memref<64xi32, #tpu.memory_space<vmem>>
        %dma_wait3A_208 = arith.constant 0 : i32
        %dma_wait3A_209 = arith.constant 0 : i32
        %dma_wait3A_210 = tpu.memref_slice %arg2[%dma_wait3A_208, %dma_wait3A_209] : memref<20000x128xf32, #tpu.memory_space<hbm>> -> memref<20000x128xf32, #tpu.memory_space<hbm>>
        tpu.wait_indirect_dma semaphore(%arg13 : memref<!tpu.dma_semaphore, #tpu.memory_space<semaphore_mem>>) src(%dma_wait3A_210 : memref<20000x128xf32, #tpu.memory_space<hbm>>) dst(%dma_wait3A_204 : memref<64x128xf32, #tpu.memory_space<vmem>>)
        %dma_wait3A_211 = arith.constant 0 : i32
        %dma_wait3A_212 = arith.constant 64 : i32
        %dma_wait3A_213 = arith.constant 0 : i32
        %dma_wait3A_214 = tpu.memref_slice %arg10[%dma_wait3A_212, %dma_wait3A_213] : memref<128x128xf32, #tpu.memory_space<vmem>> -> memref<64x128xf32, #tpu.memory_space<vmem>>
        %dma_wait3A_215 = arith.constant 0 : i32
        %dma_wait3A_216 = tpu.memref_slice %arg12[%dma_wait3A_211, %dma_wait3A_215] : memref<80x128xi32, #tpu.memory_space<vmem>> -> memref<1x64xi32, #tpu.memory_space<vmem>>
        %dma_wait3A_217 = tpu.memref_squeeze %dma_wait3A_216 : memref<1x64xi32, #tpu.memory_space<vmem>> -> memref<64xi32, #tpu.memory_space<vmem>>
        %dma_wait3A_218 = arith.constant 0 : i32
        %dma_wait3A_219 = arith.constant 0 : i32
        %dma_wait3A_220 = tpu.memref_slice %arg2[%dma_wait3A_218, %dma_wait3A_219] : memref<20000x128xf32, #tpu.memory_space<hbm>> -> memref<20000x128xf32, #tpu.memory_space<hbm>>
        tpu.wait_indirect_dma semaphore(%arg13 : memref<!tpu.dma_semaphore, #tpu.memory_space<semaphore_mem>>) src(%dma_wait3A_220 : memref<20000x128xf32, #tpu.memory_space<hbm>>) dst(%dma_wait3A_214 : memref<64x128xf32, #tpu.memory_space<vmem>>)
        %mul3A_221 = arith.constant 2 : i32
        %mul3A_222 = arith.muli %mul3A_221, %mul3A_201 : i32
        %add3A_223 = arith.constant 1 : i32
        %add3A_224 = arith.addi %mul3A_222, %add3A_223 : i32
        "tpu.region"() ({
          %run_scoped3A = tpu.sem_alloc : memref<!tpu.dma_semaphore, #tpu.memory_space<semaphore_mem>>
          %dma_start3A_259 = arith.constant 0 : i32
          %dma_start3A_260 = tpu.memref_slice %arg12[%add3A_224, %dma_start3A_259] : memref<80x128xi32, #tpu.memory_space<vmem>> -> memref<1x128xi32, #tpu.memory_space<vmem>>
          %dma_start3A_261 = tpu.memref_squeeze %dma_start3A_260 : memref<1x128xi32, #tpu.memory_space<vmem>> -> memref<128xi32, #tpu.memory_space<vmem>>
          %dma_start3A_262 = arith.constant 0 : i32
          %dma_start3A_263 = arith.constant 0 : i32
          %dma_start3A_264 = tpu.memref_slice %arg9[%dma_start3A_262, %dma_start3A_263] : memref<10112x128xf32, #tpu.memory_space<vmem_shared>> -> memref<10112x128xf32, #tpu.memory_space<vmem_shared>>
          tpu.enqueue_indirect_dma source(%arg10 : memref<128x128xf32, #tpu.memory_space<vmem>>) target(%dma_start3A_264 : memref<10112x128xf32, #tpu.memory_space<vmem_shared>>) offsets(%dma_start3A_261 : memref<128xi32, #tpu.memory_space<vmem>>) semaphore(%run_scoped3A : memref<!tpu.dma_semaphore, #tpu.memory_space<semaphore_mem>>) {add = true}
          %dma_wait3A_265 = arith.constant 0 : i32
          %dma_wait3A_266 = tpu.memref_slice %arg12[%add3A_224, %dma_wait3A_265] : memref<80x128xi32, #tpu.memory_space<vmem>> -> memref<1x128xi32, #tpu.memory_space<vmem>>
          %dma_wait3A_267 = tpu.memref_squeeze %dma_wait3A_266 : memref<1x128xi32, #tpu.memory_space<vmem>> -> memref<128xi32, #tpu.memory_space<vmem>>
          %dma_wait3A_268 = arith.constant 0 : i32
          %dma_wait3A_269 = arith.constant 0 : i32
          %dma_wait3A_270 = tpu.memref_slice %arg9[%dma_wait3A_268, %dma_wait3A_269] : memref<10112x128xf32, #tpu.memory_space<vmem_shared>> -> memref<10112x128xf32, #tpu.memory_space<vmem_shared>>
          tpu.wait_indirect_dma semaphore(%run_scoped3A : memref<!tpu.dma_semaphore, #tpu.memory_space<semaphore_mem>>) src(%arg10 : memref<128x128xf32, #tpu.memory_space<vmem>>) dst(%dma_wait3A_270 : memref<10112x128xf32, #tpu.memory_space<vmem_shared>>)
          tpu.yield
        }) : () -> ()
        %lt3A = arith.constant 19 : i32
        %lt3A_225 = arith.cmpi slt, %scan3A_198, %lt3A : i32
        %convert_element_type3A_226 = arith.extui %lt3A_225 : i1 to i32
        %cond3A_227 = arith.constant 0 : i32
        %cond3A_228 = arith.cmpi ne, %convert_element_type3A_226, %cond3A_227 : i32
        scf.if %cond3A_228 {
          %add3A_259 = arith.constant 2 : i32
          %add3A_260 = arith.addi %mul3A_201, %add3A_259 : i32
          %mul3A_261 = arith.constant 2 : i32
          %mul3A_262 = arith.muli %mul3A_261, %add3A_260 : i32
          %dma_start3A_263 = arith.constant 0 : i32
          %dma_start3A_264 = arith.constant 0 : i32
          %dma_start3A_265 = tpu.memref_slice %arg10[%dma_start3A_263, %dma_start3A_264] : memref<128x128xf32, #tpu.memory_space<vmem>> -> memref<64x128xf32, #tpu.memory_space<vmem>>
          %dma_start3A_266 = arith.constant 0 : i32
          %dma_start3A_267 = tpu.memref_slice %arg12[%mul3A_262, %dma_start3A_266] : memref<80x128xi32, #tpu.memory_space<vmem>> -> memref<1x64xi32, #tpu.memory_space<vmem>>
          %dma_start3A_268 = tpu.memref_squeeze %dma_start3A_267 : memref<1x64xi32, #tpu.memory_space<vmem>> -> memref<64xi32, #tpu.memory_space<vmem>>
          %dma_start3A_269 = arith.constant 0 : i32
          %dma_start3A_270 = arith.constant 0 : i32
          %dma_start3A_271 = tpu.memref_slice %arg2[%dma_start3A_269, %dma_start3A_270] : memref<20000x128xf32, #tpu.memory_space<hbm>> -> memref<20000x128xf32, #tpu.memory_space<hbm>>
          tpu.enqueue_indirect_dma source(%dma_start3A_271 : memref<20000x128xf32, #tpu.memory_space<hbm>>) target(%dma_start3A_265 : memref<64x128xf32, #tpu.memory_space<vmem>>) offsets(%dma_start3A_268 : memref<64xi32, #tpu.memory_space<vmem>>) semaphore(%arg13 : memref<!tpu.dma_semaphore, #tpu.memory_space<semaphore_mem>>)
          %mul3A_272 = arith.constant 2 : i32
          %mul3A_273 = arith.muli %mul3A_272, %add3A_260 : i32
          %dma_start3A_274 = arith.constant 64 : i32
          %dma_start3A_275 = arith.constant 0 : i32
          %dma_start3A_276 = tpu.memref_slice %arg10[%dma_start3A_274, %dma_start3A_275] : memref<128x128xf32, #tpu.memory_space<vmem>> -> memref<64x128xf32, #tpu.memory_space<vmem>>
          %dma_start3A_277 = arith.constant 64 : i32
          %dma_start3A_278 = tpu.memref_slice %arg12[%mul3A_273, %dma_start3A_277] : memref<80x128xi32, #tpu.memory_space<vmem>> -> memref<1x64xi32, #tpu.memory_space<vmem>>
          %dma_start3A_279 = tpu.memref_squeeze %dma_start3A_278 : memref<1x64xi32, #tpu.memory_space<vmem>> -> memref<64xi32, #tpu.memory_space<vmem>>
          %dma_start3A_280 = arith.constant 0 : i32
          %dma_start3A_281 = arith.constant 0 : i32
          %dma_start3A_282 = tpu.memref_slice %arg2[%dma_start3A_280, %dma_start3A_281] : memref<20000x128xf32, #tpu.memory_space<hbm>> -> memref<20000x128xf32, #tpu.memory_space<hbm>>
          tpu.enqueue_indirect_dma source(%dma_start3A_282 : memref<20000x128xf32, #tpu.memory_space<hbm>>) target(%dma_start3A_276 : memref<64x128xf32, #tpu.memory_space<vmem>>) offsets(%dma_start3A_279 : memref<64xi32, #tpu.memory_space<vmem>>) semaphore(%arg13 : memref<!tpu.dma_semaphore, #tpu.memory_space<semaphore_mem>>)
        } else {
        }
        %dma_wait3A_229 = arith.constant 0 : i32
        %dma_wait3A_230 = arith.constant 0 : i32
        %dma_wait3A_231 = arith.constant 0 : i32
        %dma_wait3A_232 = tpu.memref_slice %arg11[%dma_wait3A_230, %dma_wait3A_231] : memref<128x128xf32, #tpu.memory_space<vmem>> -> memref<64x128xf32, #tpu.memory_space<vmem>>
        %dma_wait3A_233 = arith.constant 0 : i32
        %dma_wait3A_234 = tpu.memref_slice %arg12[%dma_wait3A_229, %dma_wait3A_233] : memref<80x128xi32, #tpu.memory_space<vmem>> -> memref<1x64xi32, #tpu.memory_space<vmem>>
        %dma_wait3A_235 = tpu.memref_squeeze %dma_wait3A_234 : memref<1x64xi32, #tpu.memory_space<vmem>> -> memref<64xi32, #tpu.memory_space<vmem>>
        %dma_wait3A_236 = arith.constant 0 : i32
        %dma_wait3A_237 = arith.constant 0 : i32
        %dma_wait3A_238 = tpu.memref_slice %arg2[%dma_wait3A_236, %dma_wait3A_237] : memref<20000x128xf32, #tpu.memory_space<hbm>> -> memref<20000x128xf32, #tpu.memory_space<hbm>>
        tpu.wait_indirect_dma semaphore(%arg14 : memref<!tpu.dma_semaphore, #tpu.memory_space<semaphore_mem>>) src(%dma_wait3A_238 : memref<20000x128xf32, #tpu.memory_space<hbm>>) dst(%dma_wait3A_232 : memref<64x128xf32, #tpu.memory_space<vmem>>)
        %dma_wait3A_239 = arith.constant 0 : i32
        %dma_wait3A_240 = arith.constant 64 : i32
        %dma_wait3A_241 = arith.constant 0 : i32
        %dma_wait3A_242 = tpu.memref_slice %arg11[%dma_wait3A_240, %dma_wait3A_241] : memref<128x128xf32, #tpu.memory_space<vmem>> -> memref<64x128xf32, #tpu.memory_space<vmem>>
        %dma_wait3A_243 = arith.constant 0 : i32
        %dma_wait3A_244 = tpu.memref_slice %arg12[%dma_wait3A_239, %dma_wait3A_243] : memref<80x128xi32, #tpu.memory_space<vmem>> -> memref<1x64xi32, #tpu.memory_space<vmem>>
        %dma_wait3A_245 = tpu.memref_squeeze %dma_wait3A_244 : memref<1x64xi32, #tpu.memory_space<vmem>> -> memref<64xi32, #tpu.memory_space<vmem>>
        %dma_wait3A_246 = arith.constant 0 : i32
        %dma_wait3A_247 = arith.constant 0 : i32
        %dma_wait3A_248 = tpu.memref_slice %arg2[%dma_wait3A_246, %dma_wait3A_247] : memref<20000x128xf32, #tpu.memory_space<hbm>> -> memref<20000x128xf32, #tpu.memory_space<hbm>>
        tpu.wait_indirect_dma semaphore(%arg14 : memref<!tpu.dma_semaphore, #tpu.memory_space<semaphore_mem>>) src(%dma_wait3A_248 : memref<20000x128xf32, #tpu.memory_space<hbm>>) dst(%dma_wait3A_242 : memref<64x128xf32, #tpu.memory_space<vmem>>)
        %mul3A_249 = arith.constant 2 : i32
        %mul3A_250 = arith.muli %mul3A_249, %mul3A_201 : i32
        %add3A_251 = arith.constant 3 : i32
        %add3A_252 = arith.addi %mul3A_250, %add3A_251 : i32
        "tpu.region"() ({
          %run_scoped3A = tpu.sem_alloc : memref<!tpu.dma_semaphore, #tpu.memory_space<semaphore_mem>>
          %dma_start3A_259 = arith.constant 0 : i32
          %dma_start3A_260 = tpu.memref_slice %arg12[%add3A_252, %dma_start3A_259] : memref<80x128xi32, #tpu.memory_space<vmem>> -> memref<1x128xi32, #tpu.memory_space<vmem>>
          %dma_start3A_261 = tpu.memref_squeeze %dma_start3A_260 : memref<1x128xi32, #tpu.memory_space<vmem>> -> memref<128xi32, #tpu.memory_space<vmem>>
          %dma_start3A_262 = arith.constant 0 : i32
          %dma_start3A_263 = arith.constant 0 : i32
          %dma_start3A_264 = tpu.memref_slice %arg9[%dma_start3A_262, %dma_start3A_263] : memref<10112x128xf32, #tpu.memory_space<vmem_shared>> -> memref<10112x128xf32, #tpu.memory_space<vmem_shared>>
          tpu.enqueue_indirect_dma source(%arg11 : memref<128x128xf32, #tpu.memory_space<vmem>>) target(%dma_start3A_264 : memref<10112x128xf32, #tpu.memory_space<vmem_shared>>) offsets(%dma_start3A_261 : memref<128xi32, #tpu.memory_space<vmem>>) semaphore(%run_scoped3A : memref<!tpu.dma_semaphore, #tpu.memory_space<semaphore_mem>>) {add = true}
          %dma_wait3A_265 = arith.constant 0 : i32
          %dma_wait3A_266 = tpu.memref_slice %arg12[%add3A_252, %dma_wait3A_265] : memref<80x128xi32, #tpu.memory_space<vmem>> -> memref<1x128xi32, #tpu.memory_space<vmem>>
          %dma_wait3A_267 = tpu.memref_squeeze %dma_wait3A_266 : memref<1x128xi32, #tpu.memory_space<vmem>> -> memref<128xi32, #tpu.memory_space<vmem>>
          %dma_wait3A_268 = arith.constant 0 : i32
          %dma_wait3A_269 = arith.constant 0 : i32
          %dma_wait3A_270 = tpu.memref_slice %arg9[%dma_wait3A_268, %dma_wait3A_269] : memref<10112x128xf32, #tpu.memory_space<vmem_shared>> -> memref<10112x128xf32, #tpu.memory_space<vmem_shared>>
          tpu.wait_indirect_dma semaphore(%run_scoped3A : memref<!tpu.dma_semaphore, #tpu.memory_space<semaphore_mem>>) src(%arg11 : memref<128x128xf32, #tpu.memory_space<vmem>>) dst(%dma_wait3A_270 : memref<10112x128xf32, #tpu.memory_space<vmem_shared>>)
          tpu.yield
        }) : () -> ()
        %lt3A_253 = arith.constant 19 : i32
        %lt3A_254 = arith.cmpi slt, %scan3A_198, %lt3A_253 : i32
        %convert_element_type3A_255 = arith.extui %lt3A_254 : i1 to i32
        %cond3A_256 = arith.constant 0 : i32
        %cond3A_257 = arith.cmpi ne, %convert_element_type3A_255, %cond3A_256 : i32
        scf.if %cond3A_257 {
          %add3A_259 = arith.constant 3 : i32
          %add3A_260 = arith.addi %mul3A_201, %add3A_259 : i32
          %mul3A_261 = arith.constant 2 : i32
          %mul3A_262 = arith.muli %mul3A_261, %add3A_260 : i32
          %dma_start3A_263 = arith.constant 0 : i32
          %dma_start3A_264 = arith.constant 0 : i32
          %dma_start3A_265 = tpu.memref_slice %arg11[%dma_start3A_263, %dma_start3A_264] : memref<128x128xf32, #tpu.memory_space<vmem>> -> memref<64x128xf32, #tpu.memory_space<vmem>>
          %dma_start3A_266 = arith.constant 0 : i32
          %dma_start3A_267 = tpu.memref_slice %arg12[%mul3A_262, %dma_start3A_266] : memref<80x128xi32, #tpu.memory_space<vmem>> -> memref<1x64xi32, #tpu.memory_space<vmem>>
          %dma_start3A_268 = tpu.memref_squeeze %dma_start3A_267 : memref<1x64xi32, #tpu.memory_space<vmem>> -> memref<64xi32, #tpu.memory_space<vmem>>
          %dma_start3A_269 = arith.constant 0 : i32
          %dma_start3A_270 = arith.constant 0 : i32
          %dma_start3A_271 = tpu.memref_slice %arg2[%dma_start3A_269, %dma_start3A_270] : memref<20000x128xf32, #tpu.memory_space<hbm>> -> memref<20000x128xf32, #tpu.memory_space<hbm>>
          tpu.enqueue_indirect_dma source(%dma_start3A_271 : memref<20000x128xf32, #tpu.memory_space<hbm>>) target(%dma_start3A_265 : memref<64x128xf32, #tpu.memory_space<vmem>>) offsets(%dma_start3A_268 : memref<64xi32, #tpu.memory_space<vmem>>) semaphore(%arg14 : memref<!tpu.dma_semaphore, #tpu.memory_space<semaphore_mem>>)
          %mul3A_272 = arith.constant 2 : i32
          %mul3A_273 = arith.muli %mul3A_272, %add3A_260 : i32
          %dma_start3A_274 = arith.constant 64 : i32
          %dma_start3A_275 = arith.constant 0 : i32
          %dma_start3A_276 = tpu.memref_slice %arg11[%dma_start3A_274, %dma_start3A_275] : memref<128x128xf32, #tpu.memory_space<vmem>> -> memref<64x128xf32, #tpu.memory_space<vmem>>
          %dma_start3A_277 = arith.constant 64 : i32
          %dma_start3A_278 = tpu.memref_slice %arg12[%mul3A_273, %dma_start3A_277] : memref<80x128xi32, #tpu.memory_space<vmem>> -> memref<1x64xi32, #tpu.memory_space<vmem>>
          %dma_start3A_279 = tpu.memref_squeeze %dma_start3A_278 : memref<1x64xi32, #tpu.memory_space<vmem>> -> memref<64xi32, #tpu.memory_space<vmem>>
          %dma_start3A_280 = arith.constant 0 : i32
          %dma_start3A_281 = arith.constant 0 : i32
          %dma_start3A_282 = tpu.memref_slice %arg2[%dma_start3A_280, %dma_start3A_281] : memref<20000x128xf32, #tpu.memory_space<hbm>> -> memref<20000x128xf32, #tpu.memory_space<hbm>>
          tpu.enqueue_indirect_dma source(%dma_start3A_282 : memref<20000x128xf32, #tpu.memory_space<hbm>>) target(%dma_start3A_276 : memref<64x128xf32, #tpu.memory_space<vmem>>) offsets(%dma_start3A_279 : memref<64xi32, #tpu.memory_space<vmem>>) semaphore(%arg14 : memref<!tpu.dma_semaphore, #tpu.memory_space<semaphore_mem>>)
        } else {
        }
        %scan3A_258 = arith.constant 0 : i32
        scf.yield %scan3A_258 : i32
      }
      %scan3A_144 = arith.constant 20 : i32
      %mul3A_145 = arith.constant 80 : i32
      %mul3A_146 = arith.muli %arg1, %mul3A_145 : i32
      %add3A_147 = arith.constant 40 : i32
      %add3A_148 = arith.addi %mul3A_146, %add3A_147 : i32
      %mul3A_149 = arith.constant 2 : i32
      %mul3A_150 = arith.muli %mul3A_149, %add3A_148 : i32
      "tpu.region"() ({
        %run_scoped3A = tpu.sem_alloc : memref<!tpu.dma_semaphore, #tpu.memory_space<semaphore_mem>>
        %dma_start3A_198 = arith.constant 0 : i32
        %dma_start3A_199 = tpu.memref_slice %arg4[%mul3A_150, %dma_start3A_198] : memref<2560x128xi32, #tpu.memory_space<hbm>> -> memref<80x128xi32, #tpu.memory_space<hbm>>
        %dma_start3A_200 = arith.constant 0 : i32
        %dma_start3A_201 = tpu.memref_slice %arg4[%mul3A_150, %dma_start3A_200] : memref<2560x128xi32, #tpu.memory_space<hbm>> -> memref<80x128xi32, #tpu.memory_space<hbm>>
        tpu.enqueue_dma source(%dma_start3A_201 : memref<80x128xi32, #tpu.memory_space<hbm>>) target(%arg12 : memref<80x128xi32, #tpu.memory_space<vmem>>) target_semaphore(%run_scoped3A : memref<!tpu.dma_semaphore, #tpu.memory_space<semaphore_mem>>)
        %dma_wait3A = arith.constant 0 : i32
        %dma_wait3A_202 = tpu.memref_slice %arg4[%mul3A_150, %dma_wait3A] : memref<2560x128xi32, #tpu.memory_space<hbm>> -> memref<80x128xi32, #tpu.memory_space<hbm>>
        %dma_wait3A_203 = arith.constant 0 : i32
        %dma_wait3A_204 = tpu.memref_slice %arg4[%mul3A_150, %dma_wait3A_203] : memref<2560x128xi32, #tpu.memory_space<hbm>> -> memref<80x128xi32, #tpu.memory_space<hbm>>
        tpu.wait_dma2 semaphore(%run_scoped3A : memref<!tpu.dma_semaphore, #tpu.memory_space<semaphore_mem>>) src(%dma_wait3A_204 : memref<80x128xi32, #tpu.memory_space<hbm>>) dst(%arg12 : memref<80x128xi32, #tpu.memory_space<vmem>>)
        tpu.yield
      }) : () -> ()
      %dma_start3A_151 = arith.constant 0 : i32
      %dma_start3A_152 = arith.constant 0 : i32
      %dma_start3A_153 = arith.constant 0 : i32
      %dma_start3A_154 = tpu.memref_slice %arg10[%dma_start3A_152, %dma_start3A_153] : memref<128x128xf32, #tpu.memory_space<vmem>> -> memref<64x128xf32, #tpu.memory_space<vmem>>
      %dma_start3A_155 = arith.constant 0 : i32
      %dma_start3A_156 = tpu.memref_slice %arg12[%dma_start3A_151, %dma_start3A_155] : memref<80x128xi32, #tpu.memory_space<vmem>> -> memref<1x64xi32, #tpu.memory_space<vmem>>
      %dma_start3A_157 = tpu.memref_squeeze %dma_start3A_156 : memref<1x64xi32, #tpu.memory_space<vmem>> -> memref<64xi32, #tpu.memory_space<vmem>>
      %dma_start3A_158 = arith.constant 0 : i32
      %dma_start3A_159 = arith.constant 0 : i32
      %dma_start3A_160 = tpu.memref_slice %arg2[%dma_start3A_158, %dma_start3A_159] : memref<20000x128xf32, #tpu.memory_space<hbm>> -> memref<20000x128xf32, #tpu.memory_space<hbm>>
      tpu.enqueue_indirect_dma source(%dma_start3A_160 : memref<20000x128xf32, #tpu.memory_space<hbm>>) target(%dma_start3A_154 : memref<64x128xf32, #tpu.memory_space<vmem>>) offsets(%dma_start3A_157 : memref<64xi32, #tpu.memory_space<vmem>>) semaphore(%arg13 : memref<!tpu.dma_semaphore, #tpu.memory_space<semaphore_mem>>)
      %dma_start3A_161 = arith.constant 0 : i32
      %dma_start3A_162 = arith.constant 64 : i32
      %dma_start3A_163 = arith.constant 0 : i32
      %dma_start3A_164 = tpu.memref_slice %arg10[%dma_start3A_162, %dma_start3A_163] : memref<128x128xf32, #tpu.memory_space<vmem>> -> memref<64x128xf32, #tpu.memory_space<vmem>>
      %dma_start3A_165 = arith.constant 64 : i32
      %dma_start3A_166 = tpu.memref_slice %arg12[%dma_start3A_161, %dma_start3A_165] : memref<80x128xi32, #tpu.memory_space<vmem>> -> memref<1x64xi32, #tpu.memory_space<vmem>>
      %dma_start3A_167 = tpu.memref_squeeze %dma_start3A_166 : memref<1x64xi32, #tpu.memory_space<vmem>> -> memref<64xi32, #tpu.memory_space<vmem>>
      %dma_start3A_168 = arith.constant 0 : i32
      %dma_start3A_169 = arith.constant 0 : i32
      %dma_start3A_170 = tpu.memref_slice %arg2[%dma_start3A_168, %dma_start3A_169] : memref<20000x128xf32, #tpu.memory_space<hbm>> -> memref<20000x128xf32, #tpu.memory_space<hbm>>
      tpu.enqueue_indirect_dma source(%dma_start3A_170 : memref<20000x128xf32, #tpu.memory_space<hbm>>) target(%dma_start3A_164 : memref<64x128xf32, #tpu.memory_space<vmem>>) offsets(%dma_start3A_167 : memref<64xi32, #tpu.memory_space<vmem>>) semaphore(%arg13 : memref<!tpu.dma_semaphore, #tpu.memory_space<semaphore_mem>>)
      %dma_start3A_171 = arith.constant 2 : i32
      %dma_start3A_172 = arith.constant 0 : i32
      %dma_start3A_173 = arith.constant 0 : i32
      %dma_start3A_174 = tpu.memref_slice %arg11[%dma_start3A_172, %dma_start3A_173] : memref<128x128xf32, #tpu.memory_space<vmem>> -> memref<64x128xf32, #tpu.memory_space<vmem>>
      %dma_start3A_175 = arith.constant 0 : i32
      %dma_start3A_176 = tpu.memref_slice %arg12[%dma_start3A_171, %dma_start3A_175] : memref<80x128xi32, #tpu.memory_space<vmem>> -> memref<1x64xi32, #tpu.memory_space<vmem>>
      %dma_start3A_177 = tpu.memref_squeeze %dma_start3A_176 : memref<1x64xi32, #tpu.memory_space<vmem>> -> memref<64xi32, #tpu.memory_space<vmem>>
      %dma_start3A_178 = arith.constant 0 : i32
      %dma_start3A_179 = arith.constant 0 : i32
      %dma_start3A_180 = tpu.memref_slice %arg2[%dma_start3A_178, %dma_start3A_179] : memref<20000x128xf32, #tpu.memory_space<hbm>> -> memref<20000x128xf32, #tpu.memory_space<hbm>>
      tpu.enqueue_indirect_dma source(%dma_start3A_180 : memref<20000x128xf32, #tpu.memory_space<hbm>>) target(%dma_start3A_174 : memref<64x128xf32, #tpu.memory_space<vmem>>) offsets(%dma_start3A_177 : memref<64xi32, #tpu.memory_space<vmem>>) semaphore(%arg14 : memref<!tpu.dma_semaphore, #tpu.memory_space<semaphore_mem>>)
      %dma_start3A_181 = arith.constant 2 : i32
      %dma_start3A_182 = arith.constant 64 : i32
      %dma_start3A_183 = arith.constant 0 : i32
      %dma_start3A_184 = tpu.memref_slice %arg11[%dma_start3A_182, %dma_start3A_183] : memref<128x128xf32, #tpu.memory_space<vmem>> -> memref<64x128xf32, #tpu.memory_space<vmem>>
      %dma_start3A_185 = arith.constant 64 : i32
      %dma_start3A_186 = tpu.memref_slice %arg12[%dma_start3A_181, %dma_start3A_185] : memref<80x128xi32, #tpu.memory_space<vmem>> -> memref<1x64xi32, #tpu.memory_space<vmem>>
      %dma_start3A_187 = tpu.memref_squeeze %dma_start3A_186 : memref<1x64xi32, #tpu.memory_space<vmem>> -> memref<64xi32, #tpu.memory_space<vmem>>
      %dma_start3A_188 = arith.constant 0 : i32
      %dma_start3A_189 = arith.constant 0 : i32
      %dma_start3A_190 = tpu.memref_slice %arg2[%dma_start3A_188, %dma_start3A_189] : memref<20000x128xf32, #tpu.memory_space<hbm>> -> memref<20000x128xf32, #tpu.memory_space<hbm>>
      tpu.enqueue_indirect_dma source(%dma_start3A_190 : memref<20000x128xf32, #tpu.memory_space<hbm>>) target(%dma_start3A_184 : memref<64x128xf32, #tpu.memory_space<vmem>>) offsets(%dma_start3A_187 : memref<64xi32, #tpu.memory_space<vmem>>) semaphore(%arg14 : memref<!tpu.dma_semaphore, #tpu.memory_space<semaphore_mem>>)
      %scan3A_191 = arith.constant 0 : i32
      %scan3A_192 = arith.constant 0 : i32
      %scan3A_193 = arith.constant 20 : i32
      %scan3A_194 = arith.addi %scan3A_192, %scan3A_193 : i32
      %scan3A_195 = arith.constant 1 : i32
      %scan3A_196 = scf.for %scan3A_198 = %scan3A_192 to %scan3A_194 step %scan3A_195 iter_args(%scan3A_199 = %scan3A_191) -> (i32)  : i32 {
        %mul3A_200 = arith.constant 2 : i32
        %mul3A_201 = arith.muli %mul3A_200, %scan3A_198 : i32
        %dma_wait3A = arith.constant 0 : i32
        %dma_wait3A_202 = arith.constant 0 : i32
        %dma_wait3A_203 = arith.constant 0 : i32
        %dma_wait3A_204 = tpu.memref_slice %arg10[%dma_wait3A_202, %dma_wait3A_203] : memref<128x128xf32, #tpu.memory_space<vmem>> -> memref<64x128xf32, #tpu.memory_space<vmem>>
        %dma_wait3A_205 = arith.constant 0 : i32
        %dma_wait3A_206 = tpu.memref_slice %arg12[%dma_wait3A, %dma_wait3A_205] : memref<80x128xi32, #tpu.memory_space<vmem>> -> memref<1x64xi32, #tpu.memory_space<vmem>>
        %dma_wait3A_207 = tpu.memref_squeeze %dma_wait3A_206 : memref<1x64xi32, #tpu.memory_space<vmem>> -> memref<64xi32, #tpu.memory_space<vmem>>
        %dma_wait3A_208 = arith.constant 0 : i32
        %dma_wait3A_209 = arith.constant 0 : i32
        %dma_wait3A_210 = tpu.memref_slice %arg2[%dma_wait3A_208, %dma_wait3A_209] : memref<20000x128xf32, #tpu.memory_space<hbm>> -> memref<20000x128xf32, #tpu.memory_space<hbm>>
        tpu.wait_indirect_dma semaphore(%arg13 : memref<!tpu.dma_semaphore, #tpu.memory_space<semaphore_mem>>) src(%dma_wait3A_210 : memref<20000x128xf32, #tpu.memory_space<hbm>>) dst(%dma_wait3A_204 : memref<64x128xf32, #tpu.memory_space<vmem>>)
        %dma_wait3A_211 = arith.constant 0 : i32
        %dma_wait3A_212 = arith.constant 64 : i32
        %dma_wait3A_213 = arith.constant 0 : i32
        %dma_wait3A_214 = tpu.memref_slice %arg10[%dma_wait3A_212, %dma_wait3A_213] : memref<128x128xf32, #tpu.memory_space<vmem>> -> memref<64x128xf32, #tpu.memory_space<vmem>>
        %dma_wait3A_215 = arith.constant 0 : i32
        %dma_wait3A_216 = tpu.memref_slice %arg12[%dma_wait3A_211, %dma_wait3A_215] : memref<80x128xi32, #tpu.memory_space<vmem>> -> memref<1x64xi32, #tpu.memory_space<vmem>>
        %dma_wait3A_217 = tpu.memref_squeeze %dma_wait3A_216 : memref<1x64xi32, #tpu.memory_space<vmem>> -> memref<64xi32, #tpu.memory_space<vmem>>
        %dma_wait3A_218 = arith.constant 0 : i32
        %dma_wait3A_219 = arith.constant 0 : i32
        %dma_wait3A_220 = tpu.memref_slice %arg2[%dma_wait3A_218, %dma_wait3A_219] : memref<20000x128xf32, #tpu.memory_space<hbm>> -> memref<20000x128xf32, #tpu.memory_space<hbm>>
        tpu.wait_indirect_dma semaphore(%arg13 : memref<!tpu.dma_semaphore, #tpu.memory_space<semaphore_mem>>) src(%dma_wait3A_220 : memref<20000x128xf32, #tpu.memory_space<hbm>>) dst(%dma_wait3A_214 : memref<64x128xf32, #tpu.memory_space<vmem>>)
        %mul3A_221 = arith.constant 2 : i32
        %mul3A_222 = arith.muli %mul3A_221, %mul3A_201 : i32
        %add3A_223 = arith.constant 1 : i32
        %add3A_224 = arith.addi %mul3A_222, %add3A_223 : i32
        "tpu.region"() ({
          %run_scoped3A = tpu.sem_alloc : memref<!tpu.dma_semaphore, #tpu.memory_space<semaphore_mem>>
          %dma_start3A_259 = arith.constant 0 : i32
          %dma_start3A_260 = tpu.memref_slice %arg12[%add3A_224, %dma_start3A_259] : memref<80x128xi32, #tpu.memory_space<vmem>> -> memref<1x128xi32, #tpu.memory_space<vmem>>
          %dma_start3A_261 = tpu.memref_squeeze %dma_start3A_260 : memref<1x128xi32, #tpu.memory_space<vmem>> -> memref<128xi32, #tpu.memory_space<vmem>>
          %dma_start3A_262 = arith.constant 0 : i32
          %dma_start3A_263 = arith.constant 0 : i32
          %dma_start3A_264 = tpu.memref_slice %arg9[%dma_start3A_262, %dma_start3A_263] : memref<10112x128xf32, #tpu.memory_space<vmem_shared>> -> memref<10112x128xf32, #tpu.memory_space<vmem_shared>>
          tpu.enqueue_indirect_dma source(%arg10 : memref<128x128xf32, #tpu.memory_space<vmem>>) target(%dma_start3A_264 : memref<10112x128xf32, #tpu.memory_space<vmem_shared>>) offsets(%dma_start3A_261 : memref<128xi32, #tpu.memory_space<vmem>>) semaphore(%run_scoped3A : memref<!tpu.dma_semaphore, #tpu.memory_space<semaphore_mem>>) {add = true}
          %dma_wait3A_265 = arith.constant 0 : i32
          %dma_wait3A_266 = tpu.memref_slice %arg12[%add3A_224, %dma_wait3A_265] : memref<80x128xi32, #tpu.memory_space<vmem>> -> memref<1x128xi32, #tpu.memory_space<vmem>>
          %dma_wait3A_267 = tpu.memref_squeeze %dma_wait3A_266 : memref<1x128xi32, #tpu.memory_space<vmem>> -> memref<128xi32, #tpu.memory_space<vmem>>
          %dma_wait3A_268 = arith.constant 0 : i32
          %dma_wait3A_269 = arith.constant 0 : i32
          %dma_wait3A_270 = tpu.memref_slice %arg9[%dma_wait3A_268, %dma_wait3A_269] : memref<10112x128xf32, #tpu.memory_space<vmem_shared>> -> memref<10112x128xf32, #tpu.memory_space<vmem_shared>>
          tpu.wait_indirect_dma semaphore(%run_scoped3A : memref<!tpu.dma_semaphore, #tpu.memory_space<semaphore_mem>>) src(%arg10 : memref<128x128xf32, #tpu.memory_space<vmem>>) dst(%dma_wait3A_270 : memref<10112x128xf32, #tpu.memory_space<vmem_shared>>)
          tpu.yield
        }) : () -> ()
        %lt3A = arith.constant 19 : i32
        %lt3A_225 = arith.cmpi slt, %scan3A_198, %lt3A : i32
        %convert_element_type3A_226 = arith.extui %lt3A_225 : i1 to i32
        %cond3A_227 = arith.constant 0 : i32
        %cond3A_228 = arith.cmpi ne, %convert_element_type3A_226, %cond3A_227 : i32
        scf.if %cond3A_228 {
          %add3A_259 = arith.constant 2 : i32
          %add3A_260 = arith.addi %mul3A_201, %add3A_259 : i32
          %mul3A_261 = arith.constant 2 : i32
          %mul3A_262 = arith.muli %mul3A_261, %add3A_260 : i32
          %dma_start3A_263 = arith.constant 0 : i32
          %dma_start3A_264 = arith.constant 0 : i32
          %dma_start3A_265 = tpu.memref_slice %arg10[%dma_start3A_263, %dma_start3A_264] : memref<128x128xf32, #tpu.memory_space<vmem>> -> memref<64x128xf32, #tpu.memory_space<vmem>>
          %dma_start3A_266 = arith.constant 0 : i32
          %dma_start3A_267 = tpu.memref_slice %arg12[%mul3A_262, %dma_start3A_266] : memref<80x128xi32, #tpu.memory_space<vmem>> -> memref<1x64xi32, #tpu.memory_space<vmem>>
          %dma_start3A_268 = tpu.memref_squeeze %dma_start3A_267 : memref<1x64xi32, #tpu.memory_space<vmem>> -> memref<64xi32, #tpu.memory_space<vmem>>
          %dma_start3A_269 = arith.constant 0 : i32
          %dma_start3A_270 = arith.constant 0 : i32
          %dma_start3A_271 = tpu.memref_slice %arg2[%dma_start3A_269, %dma_start3A_270] : memref<20000x128xf32, #tpu.memory_space<hbm>> -> memref<20000x128xf32, #tpu.memory_space<hbm>>
          tpu.enqueue_indirect_dma source(%dma_start3A_271 : memref<20000x128xf32, #tpu.memory_space<hbm>>) target(%dma_start3A_265 : memref<64x128xf32, #tpu.memory_space<vmem>>) offsets(%dma_start3A_268 : memref<64xi32, #tpu.memory_space<vmem>>) semaphore(%arg13 : memref<!tpu.dma_semaphore, #tpu.memory_space<semaphore_mem>>)
          %mul3A_272 = arith.constant 2 : i32
          %mul3A_273 = arith.muli %mul3A_272, %add3A_260 : i32
          %dma_start3A_274 = arith.constant 64 : i32
          %dma_start3A_275 = arith.constant 0 : i32
          %dma_start3A_276 = tpu.memref_slice %arg10[%dma_start3A_274, %dma_start3A_275] : memref<128x128xf32, #tpu.memory_space<vmem>> -> memref<64x128xf32, #tpu.memory_space<vmem>>
          %dma_start3A_277 = arith.constant 64 : i32
          %dma_start3A_278 = tpu.memref_slice %arg12[%mul3A_273, %dma_start3A_277] : memref<80x128xi32, #tpu.memory_space<vmem>> -> memref<1x64xi32, #tpu.memory_space<vmem>>
          %dma_start3A_279 = tpu.memref_squeeze %dma_start3A_278 : memref<1x64xi32, #tpu.memory_space<vmem>> -> memref<64xi32, #tpu.memory_space<vmem>>
          %dma_start3A_280 = arith.constant 0 : i32
          %dma_start3A_281 = arith.constant 0 : i32
          %dma_start3A_282 = tpu.memref_slice %arg2[%dma_start3A_280, %dma_start3A_281] : memref<20000x128xf32, #tpu.memory_space<hbm>> -> memref<20000x128xf32, #tpu.memory_space<hbm>>
          tpu.enqueue_indirect_dma source(%dma_start3A_282 : memref<20000x128xf32, #tpu.memory_space<hbm>>) target(%dma_start3A_276 : memref<64x128xf32, #tpu.memory_space<vmem>>) offsets(%dma_start3A_279 : memref<64xi32, #tpu.memory_space<vmem>>) semaphore(%arg13 : memref<!tpu.dma_semaphore, #tpu.memory_space<semaphore_mem>>)
        } else {
        }
        %dma_wait3A_229 = arith.constant 0 : i32
        %dma_wait3A_230 = arith.constant 0 : i32
        %dma_wait3A_231 = arith.constant 0 : i32
        %dma_wait3A_232 = tpu.memref_slice %arg11[%dma_wait3A_230, %dma_wait3A_231] : memref<128x128xf32, #tpu.memory_space<vmem>> -> memref<64x128xf32, #tpu.memory_space<vmem>>
        %dma_wait3A_233 = arith.constant 0 : i32
        %dma_wait3A_234 = tpu.memref_slice %arg12[%dma_wait3A_229, %dma_wait3A_233] : memref<80x128xi32, #tpu.memory_space<vmem>> -> memref<1x64xi32, #tpu.memory_space<vmem>>
        %dma_wait3A_235 = tpu.memref_squeeze %dma_wait3A_234 : memref<1x64xi32, #tpu.memory_space<vmem>> -> memref<64xi32, #tpu.memory_space<vmem>>
        %dma_wait3A_236 = arith.constant 0 : i32
        %dma_wait3A_237 = arith.constant 0 : i32
        %dma_wait3A_238 = tpu.memref_slice %arg2[%dma_wait3A_236, %dma_wait3A_237] : memref<20000x128xf32, #tpu.memory_space<hbm>> -> memref<20000x128xf32, #tpu.memory_space<hbm>>
        tpu.wait_indirect_dma semaphore(%arg14 : memref<!tpu.dma_semaphore, #tpu.memory_space<semaphore_mem>>) src(%dma_wait3A_238 : memref<20000x128xf32, #tpu.memory_space<hbm>>) dst(%dma_wait3A_232 : memref<64x128xf32, #tpu.memory_space<vmem>>)
        %dma_wait3A_239 = arith.constant 0 : i32
        %dma_wait3A_240 = arith.constant 64 : i32
        %dma_wait3A_241 = arith.constant 0 : i32
        %dma_wait3A_242 = tpu.memref_slice %arg11[%dma_wait3A_240, %dma_wait3A_241] : memref<128x128xf32, #tpu.memory_space<vmem>> -> memref<64x128xf32, #tpu.memory_space<vmem>>
        %dma_wait3A_243 = arith.constant 0 : i32
        %dma_wait3A_244 = tpu.memref_slice %arg12[%dma_wait3A_239, %dma_wait3A_243] : memref<80x128xi32, #tpu.memory_space<vmem>> -> memref<1x64xi32, #tpu.memory_space<vmem>>
        %dma_wait3A_245 = tpu.memref_squeeze %dma_wait3A_244 : memref<1x64xi32, #tpu.memory_space<vmem>> -> memref<64xi32, #tpu.memory_space<vmem>>
        %dma_wait3A_246 = arith.constant 0 : i32
        %dma_wait3A_247 = arith.constant 0 : i32
        %dma_wait3A_248 = tpu.memref_slice %arg2[%dma_wait3A_246, %dma_wait3A_247] : memref<20000x128xf32, #tpu.memory_space<hbm>> -> memref<20000x128xf32, #tpu.memory_space<hbm>>
        tpu.wait_indirect_dma semaphore(%arg14 : memref<!tpu.dma_semaphore, #tpu.memory_space<semaphore_mem>>) src(%dma_wait3A_248 : memref<20000x128xf32, #tpu.memory_space<hbm>>) dst(%dma_wait3A_242 : memref<64x128xf32, #tpu.memory_space<vmem>>)
        %mul3A_249 = arith.constant 2 : i32
        %mul3A_250 = arith.muli %mul3A_249, %mul3A_201 : i32
        %add3A_251 = arith.constant 3 : i32
        %add3A_252 = arith.addi %mul3A_250, %add3A_251 : i32
        "tpu.region"() ({
          %run_scoped3A = tpu.sem_alloc : memref<!tpu.dma_semaphore, #tpu.memory_space<semaphore_mem>>
          %dma_start3A_259 = arith.constant 0 : i32
          %dma_start3A_260 = tpu.memref_slice %arg12[%add3A_252, %dma_start3A_259] : memref<80x128xi32, #tpu.memory_space<vmem>> -> memref<1x128xi32, #tpu.memory_space<vmem>>
          %dma_start3A_261 = tpu.memref_squeeze %dma_start3A_260 : memref<1x128xi32, #tpu.memory_space<vmem>> -> memref<128xi32, #tpu.memory_space<vmem>>
          %dma_start3A_262 = arith.constant 0 : i32
          %dma_start3A_263 = arith.constant 0 : i32
          %dma_start3A_264 = tpu.memref_slice %arg9[%dma_start3A_262, %dma_start3A_263] : memref<10112x128xf32, #tpu.memory_space<vmem_shared>> -> memref<10112x128xf32, #tpu.memory_space<vmem_shared>>
          tpu.enqueue_indirect_dma source(%arg11 : memref<128x128xf32, #tpu.memory_space<vmem>>) target(%dma_start3A_264 : memref<10112x128xf32, #tpu.memory_space<vmem_shared>>) offsets(%dma_start3A_261 : memref<128xi32, #tpu.memory_space<vmem>>) semaphore(%run_scoped3A : memref<!tpu.dma_semaphore, #tpu.memory_space<semaphore_mem>>) {add = true}
          %dma_wait3A_265 = arith.constant 0 : i32
          %dma_wait3A_266 = tpu.memref_slice %arg12[%add3A_252, %dma_wait3A_265] : memref<80x128xi32, #tpu.memory_space<vmem>> -> memref<1x128xi32, #tpu.memory_space<vmem>>
          %dma_wait3A_267 = tpu.memref_squeeze %dma_wait3A_266 : memref<1x128xi32, #tpu.memory_space<vmem>> -> memref<128xi32, #tpu.memory_space<vmem>>
          %dma_wait3A_268 = arith.constant 0 : i32
          %dma_wait3A_269 = arith.constant 0 : i32
          %dma_wait3A_270 = tpu.memref_slice %arg9[%dma_wait3A_268, %dma_wait3A_269] : memref<10112x128xf32, #tpu.memory_space<vmem_shared>> -> memref<10112x128xf32, #tpu.memory_space<vmem_shared>>
          tpu.wait_indirect_dma semaphore(%run_scoped3A : memref<!tpu.dma_semaphore, #tpu.memory_space<semaphore_mem>>) src(%arg11 : memref<128x128xf32, #tpu.memory_space<vmem>>) dst(%dma_wait3A_270 : memref<10112x128xf32, #tpu.memory_space<vmem_shared>>)
          tpu.yield
        }) : () -> ()
        %lt3A_253 = arith.constant 19 : i32
        %lt3A_254 = arith.cmpi slt, %scan3A_198, %lt3A_253 : i32
        %convert_element_type3A_255 = arith.extui %lt3A_254 : i1 to i32
        %cond3A_256 = arith.constant 0 : i32
        %cond3A_257 = arith.cmpi ne, %convert_element_type3A_255, %cond3A_256 : i32
        scf.if %cond3A_257 {
          %add3A_259 = arith.constant 3 : i32
          %add3A_260 = arith.addi %mul3A_201, %add3A_259 : i32
          %mul3A_261 = arith.constant 2 : i32
          %mul3A_262 = arith.muli %mul3A_261, %add3A_260 : i32
          %dma_start3A_263 = arith.constant 0 : i32
          %dma_start3A_264 = arith.constant 0 : i32
          %dma_start3A_265 = tpu.memref_slice %arg11[%dma_start3A_263, %dma_start3A_264] : memref<128x128xf32, #tpu.memory_space<vmem>> -> memref<64x128xf32, #tpu.memory_space<vmem>>
          %dma_start3A_266 = arith.constant 0 : i32
          %dma_start3A_267 = tpu.memref_slice %arg12[%mul3A_262, %dma_start3A_266] : memref<80x128xi32, #tpu.memory_space<vmem>> -> memref<1x64xi32, #tpu.memory_space<vmem>>
          %dma_start3A_268 = tpu.memref_squeeze %dma_start3A_267 : memref<1x64xi32, #tpu.memory_space<vmem>> -> memref<64xi32, #tpu.memory_space<vmem>>
          %dma_start3A_269 = arith.constant 0 : i32
          %dma_start3A_270 = arith.constant 0 : i32
          %dma_start3A_271 = tpu.memref_slice %arg2[%dma_start3A_269, %dma_start3A_270] : memref<20000x128xf32, #tpu.memory_space<hbm>> -> memref<20000x128xf32, #tpu.memory_space<hbm>>
          tpu.enqueue_indirect_dma source(%dma_start3A_271 : memref<20000x128xf32, #tpu.memory_space<hbm>>) target(%dma_start3A_265 : memref<64x128xf32, #tpu.memory_space<vmem>>) offsets(%dma_start3A_268 : memref<64xi32, #tpu.memory_space<vmem>>) semaphore(%arg14 : memref<!tpu.dma_semaphore, #tpu.memory_space<semaphore_mem>>)
          %mul3A_272 = arith.constant 2 : i32
          %mul3A_273 = arith.muli %mul3A_272, %add3A_260 : i32
          %dma_start3A_274 = arith.constant 64 : i32
          %dma_start3A_275 = arith.constant 0 : i32
          %dma_start3A_276 = tpu.memref_slice %arg11[%dma_start3A_274, %dma_start3A_275] : memref<128x128xf32, #tpu.memory_space<vmem>> -> memref<64x128xf32, #tpu.memory_space<vmem>>
          %dma_start3A_277 = arith.constant 64 : i32
          %dma_start3A_278 = tpu.memref_slice %arg12[%mul3A_273, %dma_start3A_277] : memref<80x128xi32, #tpu.memory_space<vmem>> -> memref<1x64xi32, #tpu.memory_space<vmem>>
          %dma_start3A_279 = tpu.memref_squeeze %dma_start3A_278 : memref<1x64xi32, #tpu.memory_space<vmem>> -> memref<64xi32, #tpu.memory_space<vmem>>
          %dma_start3A_280 = arith.constant 0 : i32
          %dma_start3A_281 = arith.constant 0 : i32
          %dma_start3A_282 = tpu.memref_slice %arg2[%dma_start3A_280, %dma_start3A_281] : memref<20000x128xf32, #tpu.memory_space<hbm>> -> memref<20000x128xf32, #tpu.memory_space<hbm>>
          tpu.enqueue_indirect_dma source(%dma_start3A_282 : memref<20000x128xf32, #tpu.memory_space<hbm>>) target(%dma_start3A_276 : memref<64x128xf32, #tpu.memory_space<vmem>>) offsets(%dma_start3A_279 : memref<64xi32, #tpu.memory_space<vmem>>) semaphore(%arg14 : memref<!tpu.dma_semaphore, #tpu.memory_space<semaphore_mem>>)
        } else {
        }
        %scan3A_258 = arith.constant 0 : i32
        scf.yield %scan3A_258 : i32
      }
      %scan3A_197 = arith.constant 20 : i32
    } else {
    }
    %barrier3A_26 = arith.constant 0 : index
    tpu.barrier barrier_id(%barrier3A_26)
    %eq3A_27 = arith.constant 0 : i32
    %eq3A_28 = arith.cmpi eq, %arg0, %eq3A_27 : i32
    %convert_element_type3A_29 = arith.extui %eq3A_28 : i1 to i32
    %cond3A_30 = arith.constant 0 : i32
    %cond3A_31 = arith.cmpi ne, %convert_element_type3A_29, %cond3A_30 : i32
    scf.if %cond3A_31 {
      "tpu.region"() ({
        %run_scoped3A = tpu.sem_alloc : memref<!tpu.dma_semaphore, #tpu.memory_space<semaphore_mem>>
        %dma_start3A = arith.constant 0 : i32
        %dma_start3A_93 = tpu.memref_slice %arg6[%mul3A_9, %dma_start3A] : memref<10112x128xf32, #tpu.memory_space<hbm>> -> memref<632x128xf32, #tpu.memory_space<hbm>>
        %dma_start3A_94 = arith.constant 0 : i32
        %dma_start3A_95 = tpu.memref_slice %arg9[%mul3A_9, %dma_start3A_94] : memref<10112x128xf32, #tpu.memory_space<vmem_shared>> -> memref<632x128xf32, #tpu.memory_space<vmem_shared>>
        tpu.enqueue_dma source(%dma_start3A_95 : memref<632x128xf32, #tpu.memory_space<vmem_shared>>) target(%dma_start3A_93 : memref<632x128xf32, #tpu.memory_space<hbm>>) target_semaphore(%run_scoped3A : memref<!tpu.dma_semaphore, #tpu.memory_space<semaphore_mem>>)
        %dma_wait3A = arith.constant 0 : i32
        %dma_wait3A_96 = tpu.memref_slice %arg6[%mul3A_9, %dma_wait3A] : memref<10112x128xf32, #tpu.memory_space<hbm>> -> memref<632x128xf32, #tpu.memory_space<hbm>>
        %dma_wait3A_97 = arith.constant 0 : i32
        %dma_wait3A_98 = tpu.memref_slice %arg9[%mul3A_9, %dma_wait3A_97] : memref<10112x128xf32, #tpu.memory_space<vmem_shared>> -> memref<632x128xf32, #tpu.memory_space<vmem_shared>>
        tpu.wait_dma2 semaphore(%run_scoped3A : memref<!tpu.dma_semaphore, #tpu.memory_space<semaphore_mem>>) src(%dma_wait3A_98 : memref<632x128xf32, #tpu.memory_space<vmem_shared>>) dst(%dma_wait3A_96 : memref<632x128xf32, #tpu.memory_space<hbm>>)
        tpu.yield
      }) : () -> ()
    } else {
    }
    %eq3A_32 = arith.constant 1 : i32
    %eq3A_33 = arith.cmpi eq, %arg0, %eq3A_32 : i32
    %convert_element_type3A_34 = arith.extui %eq3A_33 : i1 to i32
    %cond3A_35 = arith.constant 0 : i32
    %cond3A_36 = arith.cmpi ne, %convert_element_type3A_34, %cond3A_35 : i32
    scf.if %cond3A_36 {
      "tpu.region"() ({
        %run_scoped3A = tpu.sem_alloc : memref<!tpu.dma_semaphore, #tpu.memory_space<semaphore_mem>>
        %dma_start3A = arith.constant 0 : i32
        %dma_start3A_93 = tpu.memref_slice %arg7[%mul3A_9, %dma_start3A] : memref<10112x128xf32, #tpu.memory_space<hbm>> -> memref<632x128xf32, #tpu.memory_space<hbm>>
        %dma_start3A_94 = arith.constant 0 : i32
        %dma_start3A_95 = tpu.memref_slice %arg9[%mul3A_9, %dma_start3A_94] : memref<10112x128xf32, #tpu.memory_space<vmem_shared>> -> memref<632x128xf32, #tpu.memory_space<vmem_shared>>
        tpu.enqueue_dma source(%dma_start3A_95 : memref<632x128xf32, #tpu.memory_space<vmem_shared>>) target(%dma_start3A_93 : memref<632x128xf32, #tpu.memory_space<hbm>>) target_semaphore(%run_scoped3A : memref<!tpu.dma_semaphore, #tpu.memory_space<semaphore_mem>>)
        %dma_wait3A = arith.constant 0 : i32
        %dma_wait3A_96 = tpu.memref_slice %arg7[%mul3A_9, %dma_wait3A] : memref<10112x128xf32, #tpu.memory_space<hbm>> -> memref<632x128xf32, #tpu.memory_space<hbm>>
        %dma_wait3A_97 = arith.constant 0 : i32
        %dma_wait3A_98 = tpu.memref_slice %arg9[%mul3A_9, %dma_wait3A_97] : memref<10112x128xf32, #tpu.memory_space<vmem_shared>> -> memref<632x128xf32, #tpu.memory_space<vmem_shared>>
        tpu.wait_dma2 semaphore(%run_scoped3A : memref<!tpu.dma_semaphore, #tpu.memory_space<semaphore_mem>>) src(%dma_wait3A_98 : memref<632x128xf32, #tpu.memory_space<vmem_shared>>) dst(%dma_wait3A_96 : memref<632x128xf32, #tpu.memory_space<hbm>>)
        tpu.yield
      }) : () -> ()
    } else {
    }
    %barrier3A_37 = arith.constant 0 : index
    tpu.barrier barrier_id(%barrier3A_37)
    %scan3A_38 = arith.constant 0 : i32
    %scan3A_39 = arith.constant 0 : i32
    %scan3A_40 = arith.constant 128 : i32
    %scan3A_41 = arith.addi %scan3A_39, %scan3A_40 : i32
    %scan3A_42 = arith.constant 1 : i32
    %scan3A_43 = scf.for %scan3A_93 = %scan3A_39 to %scan3A_41 step %scan3A_42 iter_args(%scan3A_94 = %scan3A_38) -> (i32)  : i32 {
      %scan3A_95 = arith.constant 0 : i32
      %scan3A_96 = arith.constant 0 : i32
      %scan3A_97 = arith.constant 8 : i32
      %scan3A_98 = arith.addi %scan3A_96, %scan3A_97 : i32
      %scan3A_99 = arith.constant 1 : i32
      %scan3A_100 = scf.for %scan3A_103 = %scan3A_96 to %scan3A_98 step %scan3A_99 iter_args(%scan3A_104 = %scan3A_95) -> (i32)  : i32 {
        %mul3A_105 = arith.constant 16 : i32
        %mul3A_106 = arith.muli %scan3A_103, %mul3A_105 : i32
        %swap3A = arith.index_cast %scan3A_93 : i32 to index
        %swap3A_107 = arith.index_cast %mul3A_106 : i32 to index
        %swap3A_108 = tpu.vector_load %arg11[%swap3A, %swap3A_107] {strides = array<i32>} : memref<128x128xf32, #tpu.memory_space<vmem>>, vector<1x16xf32>,
        %swap3A_109 = vector.shape_cast %swap3A_108 : vector<1x16xf32> to vector<16xf32>
        %swap3A_110 = vector.shape_cast %broadcast_in_dim3A_0 : vector<16xf32> to vector<1x16xf32>
        tpu.vector_store %arg11[%swap3A, %swap3A_107], %swap3A_110 {strides = array<i32>} : memref<128x128xf32, #tpu.memory_space<vmem>>, vector<1x16xf32>,
        %scan3A_111 = arith.constant 0 : i32
        scf.yield %scan3A_111 : i32
      }
      %scan3A_101 = arith.constant 8 : i32
      %scan3A_102 = arith.constant 0 : i32
      scf.yield %scan3A_102 : i32
    }
    %scan3A_44 = arith.constant 128 : i32
    %scan3A_45 = arith.constant 0 : i32
    %scan3A_46 = arith.constant 0 : i32
    %scan3A_47 = arith.constant 128 : i32
    %scan3A_48 = arith.addi %scan3A_46, %scan3A_47 : i32
    %scan3A_49 = arith.constant 1 : i32
    %scan3A_50 = scf.for %scan3A_93 = %scan3A_46 to %scan3A_48 step %scan3A_49 iter_args(%scan3A_94 = %scan3A_45) -> (i32)  : i32 {
      %scan3A_95 = arith.constant 0 : i32
      %scan3A_96 = arith.constant 0 : i32
      %scan3A_97 = arith.constant 8 : i32
      %scan3A_98 = arith.addi %scan3A_96, %scan3A_97 : i32
      %scan3A_99 = arith.constant 1 : i32
      %scan3A_100 = scf.for %scan3A_103 = %scan3A_96 to %scan3A_98 step %scan3A_99 iter_args(%scan3A_104 = %scan3A_95) -> (i32)  : i32 {
        %mul3A_105 = arith.constant 16 : i32
        %mul3A_106 = arith.muli %scan3A_103, %mul3A_105 : i32
        %swap3A = arith.index_cast %scan3A_93 : i32 to index
        %swap3A_107 = arith.index_cast %mul3A_106 : i32 to index
        %swap3A_108 = tpu.vector_load %arg10[%swap3A, %swap3A_107] {strides = array<i32>} : memref<128x128xf32, #tpu.memory_space<vmem>>, vector<1x16xf32>,
        %swap3A_109 = vector.shape_cast %swap3A_108 : vector<1x16xf32> to vector<16xf32>
        %swap3A_110 = vector.shape_cast %broadcast_in_dim3A_2 : vector<16xf32> to vector<1x16xf32>
        tpu.vector_store %arg10[%swap3A, %swap3A_107], %swap3A_110 {strides = array<i32>} : memref<128x128xf32, #tpu.memory_space<vmem>>, vector<1x16xf32>,
        %scan3A_111 = arith.constant 0 : i32
        scf.yield %scan3A_111 : i32
      }
      %scan3A_101 = arith.constant 8 : i32
      %scan3A_102 = arith.constant 0 : i32
      scf.yield %scan3A_102 : i32
    }
    %scan3A_51 = arith.constant 128 : i32
    %add3A_52 = arith.constant 0 : i32
    %add3A_53 = arith.addi %mul3A_9, %add3A_52 : i32
    "tpu.region"() ({
      %run_scoped3A = tpu.sem_alloc : memref<!tpu.dma_semaphore, #tpu.memory_space<semaphore_mem>>
      %dma_start3A = arith.constant 0 : i32
      %dma_start3A_93 = tpu.memref_slice %arg9[%add3A_53, %dma_start3A] : memref<10112x128xf32, #tpu.memory_space<vmem_shared>> -> memref<128x128xf32, #tpu.memory_space<vmem_shared>>
      %dma_start3A_94 = arith.constant 0 : i32
      %dma_start3A_95 = tpu.memref_slice %arg9[%add3A_53, %dma_start3A_94] : memref<10112x128xf32, #tpu.memory_space<vmem_shared>> -> memref<128x128xf32, #tpu.memory_space<vmem_shared>>
      tpu.enqueue_dma source(%arg11 : memref<128x128xf32, #tpu.memory_space<vmem>>) target(%dma_start3A_95 : memref<128x128xf32, #tpu.memory_space<vmem_shared>>) target_semaphore(%run_scoped3A : memref<!tpu.dma_semaphore, #tpu.memory_space<semaphore_mem>>)
      %dma_wait3A = arith.constant 0 : i32
      %dma_wait3A_96 = tpu.memref_slice %arg9[%add3A_53, %dma_wait3A] : memref<10112x128xf32, #tpu.memory_space<vmem_shared>> -> memref<128x128xf32, #tpu.memory_space<vmem_shared>>
      %dma_wait3A_97 = arith.constant 0 : i32
      %dma_wait3A_98 = tpu.memref_slice %arg9[%add3A_53, %dma_wait3A_97] : memref<10112x128xf32, #tpu.memory_space<vmem_shared>> -> memref<128x128xf32, #tpu.memory_space<vmem_shared>>
      tpu.wait_dma2 semaphore(%run_scoped3A : memref<!tpu.dma_semaphore, #tpu.memory_space<semaphore_mem>>) src(%arg11 : memref<128x128xf32, #tpu.memory_space<vmem>>) dst(%dma_wait3A_98 : memref<128x128xf32, #tpu.memory_space<vmem_shared>>)
      tpu.yield
    }) : () -> ()
    %add3A_54 = arith.constant 128 : i32
    %add3A_55 = arith.addi %mul3A_9, %add3A_54 : i32
    "tpu.region"() ({
      %run_scoped3A = tpu.sem_alloc : memref<!tpu.dma_semaphore, #tpu.memory_space<semaphore_mem>>
      %dma_start3A = arith.constant 0 : i32
      %dma_start3A_93 = tpu.memref_slice %arg9[%add3A_55, %dma_start3A] : memref<10112x128xf32, #tpu.memory_space<vmem_shared>> -> memref<128x128xf32, #tpu.memory_space<vmem_shared>>
      %dma_start3A_94 = arith.constant 0 : i32
      %dma_start3A_95 = tpu.memref_slice %arg9[%add3A_55, %dma_start3A_94] : memref<10112x128xf32, #tpu.memory_space<vmem_shared>> -> memref<128x128xf32, #tpu.memory_space<vmem_shared>>
      tpu.enqueue_dma source(%arg11 : memref<128x128xf32, #tpu.memory_space<vmem>>) target(%dma_start3A_95 : memref<128x128xf32, #tpu.memory_space<vmem_shared>>) target_semaphore(%run_scoped3A : memref<!tpu.dma_semaphore, #tpu.memory_space<semaphore_mem>>)
      %dma_wait3A = arith.constant 0 : i32
      %dma_wait3A_96 = tpu.memref_slice %arg9[%add3A_55, %dma_wait3A] : memref<10112x128xf32, #tpu.memory_space<vmem_shared>> -> memref<128x128xf32, #tpu.memory_space<vmem_shared>>
      %dma_wait3A_97 = arith.constant 0 : i32
      %dma_wait3A_98 = tpu.memref_slice %arg9[%add3A_55, %dma_wait3A_97] : memref<10112x128xf32, #tpu.memory_space<vmem_shared>> -> memref<128x128xf32, #tpu.memory_space<vmem_shared>>
      tpu.wait_dma2 semaphore(%run_scoped3A : memref<!tpu.dma_semaphore, #tpu.memory_space<semaphore_mem>>) src(%arg11 : memref<128x128xf32, #tpu.memory_space<vmem>>) dst(%dma_wait3A_98 : memref<128x128xf32, #tpu.memory_space<vmem_shared>>)
      tpu.yield
    }) : () -> ()
    %add3A_56 = arith.constant 256 : i32
    %add3A_57 = arith.addi %mul3A_9, %add3A_56 : i32
    "tpu.region"() ({
      %run_scoped3A = tpu.sem_alloc : memref<!tpu.dma_semaphore, #tpu.memory_space<semaphore_mem>>
      %dma_start3A = arith.constant 0 : i32
      %dma_start3A_93 = tpu.memref_slice %arg9[%add3A_57, %dma_start3A] : memref<10112x128xf32, #tpu.memory_space<vmem_shared>> -> memref<128x128xf32, #tpu.memory_space<vmem_shared>>
      %dma_start3A_94 = arith.constant 0 : i32
      %dma_start3A_95 = tpu.memref_slice %arg9[%add3A_57, %dma_start3A_94] : memref<10112x128xf32, #tpu.memory_space<vmem_shared>> -> memref<128x128xf32, #tpu.memory_space<vmem_shared>>
      tpu.enqueue_dma source(%arg11 : memref<128x128xf32, #tpu.memory_space<vmem>>) target(%dma_start3A_95 : memref<128x128xf32, #tpu.memory_space<vmem_shared>>) target_semaphore(%run_scoped3A : memref<!tpu.dma_semaphore, #tpu.memory_space<semaphore_mem>>)
      %dma_wait3A = arith.constant 0 : i32
      %dma_wait3A_96 = tpu.memref_slice %arg9[%add3A_57, %dma_wait3A] : memref<10112x128xf32, #tpu.memory_space<vmem_shared>> -> memref<128x128xf32, #tpu.memory_space<vmem_shared>>
      %dma_wait3A_97 = arith.constant 0 : i32
      %dma_wait3A_98 = tpu.memref_slice %arg9[%add3A_57, %dma_wait3A_97] : memref<10112x128xf32, #tpu.memory_space<vmem_shared>> -> memref<128x128xf32, #tpu.memory_space<vmem_shared>>
      tpu.wait_dma2 semaphore(%run_scoped3A : memref<!tpu.dma_semaphore, #tpu.memory_space<semaphore_mem>>) src(%arg11 : memref<128x128xf32, #tpu.memory_space<vmem>>) dst(%dma_wait3A_98 : memref<128x128xf32, #tpu.memory_space<vmem_shared>>)
      tpu.yield
    }) : () -> ()
    %add3A_58 = arith.constant 384 : i32
    %add3A_59 = arith.addi %mul3A_9, %add3A_58 : i32
    "tpu.region"() ({
      %run_scoped3A = tpu.sem_alloc : memref<!tpu.dma_semaphore, #tpu.memory_space<semaphore_mem>>
      %dma_start3A = arith.constant 0 : i32
      %dma_start3A_93 = tpu.memref_slice %arg9[%add3A_59, %dma_start3A] : memref<10112x128xf32, #tpu.memory_space<vmem_shared>> -> memref<128x128xf32, #tpu.memory_space<vmem_shared>>
      %dma_start3A_94 = arith.constant 0 : i32
      %dma_start3A_95 = tpu.memref_slice %arg9[%add3A_59, %dma_start3A_94] : memref<10112x128xf32, #tpu.memory_space<vmem_shared>> -> memref<128x128xf32, #tpu.memory_space<vmem_shared>>
      tpu.enqueue_dma source(%arg11 : memref<128x128xf32, #tpu.memory_space<vmem>>) target(%dma_start3A_95 : memref<128x128xf32, #tpu.memory_space<vmem_shared>>) target_semaphore(%run_scoped3A : memref<!tpu.dma_semaphore, #tpu.memory_space<semaphore_mem>>)
      %dma_wait3A = arith.constant 0 : i32
      %dma_wait3A_96 = tpu.memref_slice %arg9[%add3A_59, %dma_wait3A] : memref<10112x128xf32, #tpu.memory_space<vmem_shared>> -> memref<128x128xf32, #tpu.memory_space<vmem_shared>>
      %dma_wait3A_97 = arith.constant 0 : i32
      %dma_wait3A_98 = tpu.memref_slice %arg9[%add3A_59, %dma_wait3A_97] : memref<10112x128xf32, #tpu.memory_space<vmem_shared>> -> memref<128x128xf32, #tpu.memory_space<vmem_shared>>
      tpu.wait_dma2 semaphore(%run_scoped3A : memref<!tpu.dma_semaphore, #tpu.memory_space<semaphore_mem>>) src(%arg11 : memref<128x128xf32, #tpu.memory_space<vmem>>) dst(%dma_wait3A_98 : memref<128x128xf32, #tpu.memory_space<vmem_shared>>)
      tpu.yield
    }) : () -> ()
    %add3A_60 = arith.constant 512 : i32
    %add3A_61 = arith.addi %mul3A_9, %add3A_60 : i32
    "tpu.region"() ({
      %run_scoped3A = tpu.sem_alloc : memref<!tpu.dma_semaphore, #tpu.memory_space<semaphore_mem>>
      %dma_start3A = arith.constant 0 : i32
      %dma_start3A_93 = arith.constant 0 : i32
      %dma_start3A_94 = tpu.memref_slice %arg11[%dma_start3A, %dma_start3A_93] : memref<128x128xf32, #tpu.memory_space<vmem>> -> memref<120x128xf32, #tpu.memory_space<vmem>>
      %dma_start3A_95 = arith.constant 0 : i32
      %dma_start3A_96 = tpu.memref_slice %arg9[%add3A_61, %dma_start3A_95] : memref<10112x128xf32, #tpu.memory_space<vmem_shared>> -> memref<120x128xf32, #tpu.memory_space<vmem_shared>>
      %dma_start3A_97 = arith.constant 0 : i32
      %dma_start3A_98 = tpu.memref_slice %arg9[%add3A_61, %dma_start3A_97] : memref<10112x128xf32, #tpu.memory_space<vmem_shared>> -> memref<120x128xf32, #tpu.memory_space<vmem_shared>>
      %dma_start3A_99 = arith.constant 0 : i32
      %dma_start3A_100 = arith.constant 0 : i32
      %dma_start3A_101 = tpu.memref_slice %arg11[%dma_start3A_99, %dma_start3A_100] : memref<128x128xf32, #tpu.memory_space<vmem>> -> memref<120x128xf32, #tpu.memory_space<vmem>>
      tpu.enqueue_dma source(%dma_start3A_101 : memref<120x128xf32, #tpu.memory_space<vmem>>) target(%dma_start3A_98 : memref<120x128xf32, #tpu.memory_space<vmem_shared>>) target_semaphore(%run_scoped3A : memref<!tpu.dma_semaphore, #tpu.memory_space<semaphore_mem>>)
      %dma_wait3A = arith.constant 0 : i32
      %dma_wait3A_102 = arith.constant 0 : i32
      %dma_wait3A_103 = tpu.memref_slice %arg11[%dma_wait3A, %dma_wait3A_102] : memref<128x128xf32, #tpu.memory_space<vmem>> -> memref<120x128xf32, #tpu.memory_space<vmem>>
      %dma_wait3A_104 = arith.constant 0 : i32
      %dma_wait3A_105 = tpu.memref_slice %arg9[%add3A_61, %dma_wait3A_104] : memref<10112x128xf32, #tpu.memory_space<vmem_shared>> -> memref<120x128xf32, #tpu.memory_space<vmem_shared>>
      %dma_wait3A_106 = arith.constant 0 : i32
      %dma_wait3A_107 = tpu.memref_slice %arg9[%add3A_61, %dma_wait3A_106] : memref<10112x128xf32, #tpu.memory_space<vmem_shared>> -> memref<120x128xf32, #tpu.memory_space<vmem_shared>>
      %dma_wait3A_108 = arith.constant 0 : i32
      %dma_wait3A_109 = arith.constant 0 : i32
      %dma_wait3A_110 = tpu.memref_slice %arg11[%dma_wait3A_108, %dma_wait3A_109] : memref<128x128xf32, #tpu.memory_space<vmem>> -> memref<120x128xf32, #tpu.memory_space<vmem>>
      tpu.wait_dma2 semaphore(%run_scoped3A : memref<!tpu.dma_semaphore, #tpu.memory_space<semaphore_mem>>) src(%dma_wait3A_110 : memref<120x128xf32, #tpu.memory_space<vmem>>) dst(%dma_wait3A_107 : memref<120x128xf32, #tpu.memory_space<vmem_shared>>)
      tpu.yield
    }) : () -> ()
    %barrier3A_62 = arith.constant 0 : index
    tpu.barrier barrier_id(%barrier3A_62)
    %mul3A_63 = arith.constant 640 : i32
    %mul3A_64 = arith.muli %arg0, %mul3A_63 : i32
    %mul3A_65 = arith.constant 40 : i32
    %mul3A_66 = arith.muli %arg1, %mul3A_65 : i32
    %add3A_67 = arith.addi %mul3A_64, %mul3A_66 : i32
    "tpu.region"() ({
      %run_scoped3A = tpu.sem_alloc : memref<!tpu.dma_semaphore, #tpu.memory_space<semaphore_mem>>
      %dma_start3A = arith.constant 0 : i32
      %dma_start3A_93 = arith.constant 0 : i32
      %dma_start3A_94 = tpu.memref_slice %arg12[%dma_start3A, %dma_start3A_93] : memref<80x128xi32, #tpu.memory_space<vmem>> -> memref<40x128xi32, #tpu.memory_space<vmem>>
      %dma_start3A_95 = arith.constant 0 : i32
      %dma_start3A_96 = tpu.memref_slice %arg5[%add3A_67, %dma_start3A_95] : memref<1280x128xi32, #tpu.memory_space<hbm>> -> memref<40x128xi32, #tpu.memory_space<hbm>>
      %dma_start3A_97 = arith.constant 0 : i32
      %dma_start3A_98 = arith.constant 0 : i32
      %dma_start3A_99 = tpu.memref_slice %arg12[%dma_start3A_97, %dma_start3A_98] : memref<80x128xi32, #tpu.memory_space<vmem>> -> memref<40x128xi32, #tpu.memory_space<vmem>>
      %dma_start3A_100 = arith.constant 0 : i32
      %dma_start3A_101 = tpu.memref_slice %arg5[%add3A_67, %dma_start3A_100] : memref<1280x128xi32, #tpu.memory_space<hbm>> -> memref<40x128xi32, #tpu.memory_space<hbm>>
      tpu.enqueue_dma source(%dma_start3A_101 : memref<40x128xi32, #tpu.memory_space<hbm>>) target(%dma_start3A_99 : memref<40x128xi32, #tpu.memory_space<vmem>>) target_semaphore(%run_scoped3A : memref<!tpu.dma_semaphore, #tpu.memory_space<semaphore_mem>>)
      %dma_wait3A = arith.constant 0 : i32
      %dma_wait3A_102 = arith.constant 0 : i32
      %dma_wait3A_103 = tpu.memref_slice %arg12[%dma_wait3A, %dma_wait3A_102] : memref<80x128xi32, #tpu.memory_space<vmem>> -> memref<40x128xi32, #tpu.memory_space<vmem>>
      %dma_wait3A_104 = arith.constant 0 : i32
      %dma_wait3A_105 = tpu.memref_slice %arg5[%add3A_67, %dma_wait3A_104] : memref<1280x128xi32, #tpu.memory_space<hbm>> -> memref<40x128xi32, #tpu.memory_space<hbm>>
      %dma_wait3A_106 = arith.constant 0 : i32
      %dma_wait3A_107 = arith.constant 0 : i32
      %dma_wait3A_108 = tpu.memref_slice %arg12[%dma_wait3A_106, %dma_wait3A_107] : memref<80x128xi32, #tpu.memory_space<vmem>> -> memref<40x128xi32, #tpu.memory_space<vmem>>
      %dma_wait3A_109 = arith.constant 0 : i32
      %dma_wait3A_110 = tpu.memref_slice %arg5[%add3A_67, %dma_wait3A_109] : memref<1280x128xi32, #tpu.memory_space<hbm>> -> memref<40x128xi32, #tpu.memory_space<hbm>>
      tpu.wait_dma2 semaphore(%run_scoped3A : memref<!tpu.dma_semaphore, #tpu.memory_space<semaphore_mem>>) src(%dma_wait3A_110 : memref<40x128xi32, #tpu.memory_space<hbm>>) dst(%dma_wait3A_108 : memref<40x128xi32, #tpu.memory_space<vmem>>)
      tpu.yield
    }) : () -> ()
    %scan3A_68 = arith.constant 0 : i32
    %scan3A_69 = arith.constant 0 : i32
    %scan3A_70 = arith.constant 40 : i32
    %scan3A_71 = arith.addi %scan3A_69, %scan3A_70 : i32
    %scan3A_72 = arith.constant 1 : i32
    %scan3A_73 = scf.for %scan3A_93 = %scan3A_69 to %scan3A_71 step %scan3A_72 iter_args(%scan3A_94 = %scan3A_68) -> (i32)  : i32 {
      %dma_start3A = arith.constant 0 : i32
      %dma_start3A_95 = tpu.memref_slice %arg12[%scan3A_93, %dma_start3A] : memref<80x128xi32, #tpu.memory_space<vmem>> -> memref<1x128xi32, #tpu.memory_space<vmem>>
      %dma_start3A_96 = tpu.memref_squeeze %dma_start3A_95 : memref<1x128xi32, #tpu.memory_space<vmem>> -> memref<128xi32, #tpu.memory_space<vmem>>
      %dma_start3A_97 = arith.constant 0 : i32
      %dma_start3A_98 = arith.constant 0 : i32
      %dma_start3A_99 = tpu.memref_slice %arg9[%dma_start3A_97, %dma_start3A_98] : memref<10112x128xf32, #tpu.memory_space<vmem_shared>> -> memref<10112x128xf32, #tpu.memory_space<vmem_shared>>
      tpu.enqueue_indirect_dma source(%arg10 : memref<128x128xf32, #tpu.memory_space<vmem>>) target(%dma_start3A_99 : memref<10112x128xf32, #tpu.memory_space<vmem_shared>>) offsets(%dma_start3A_96 : memref<128xi32, #tpu.memory_space<vmem>>) semaphore(%arg13 : memref<!tpu.dma_semaphore, #tpu.memory_space<semaphore_mem>>) {add = true}
      %scan3A_100 = arith.constant 0 : i32
      scf.yield %scan3A_100 : i32
    }
    %scan3A_74 = arith.constant 40 : i32
    %scan3A_75 = arith.constant 0 : i32
    %scan3A_76 = arith.constant 0 : i32
    %scan3A_77 = arith.constant 40 : i32
    %scan3A_78 = arith.addi %scan3A_76, %scan3A_77 : i32
    %scan3A_79 = arith.constant 1 : i32
    %scan3A_80 = scf.for %scan3A_93 = %scan3A_76 to %scan3A_78 step %scan3A_79 iter_args(%scan3A_94 = %scan3A_75) -> (i32)  : i32 {
      %dma_wait3A = arith.constant 0 : i32
      %dma_wait3A_95 = arith.constant 0 : i32
      %dma_wait3A_96 = tpu.memref_slice %arg12[%dma_wait3A, %dma_wait3A_95] : memref<80x128xi32, #tpu.memory_space<vmem>> -> memref<1x128xi32, #tpu.memory_space<vmem>>
      %dma_wait3A_97 = tpu.memref_squeeze %dma_wait3A_96 : memref<1x128xi32, #tpu.memory_space<vmem>> -> memref<128xi32, #tpu.memory_space<vmem>>
      %dma_wait3A_98 = arith.constant 0 : i32
      %dma_wait3A_99 = arith.constant 0 : i32
      %dma_wait3A_100 = tpu.memref_slice %arg9[%dma_wait3A_98, %dma_wait3A_99] : memref<10112x128xf32, #tpu.memory_space<vmem_shared>> -> memref<10112x128xf32, #tpu.memory_space<vmem_shared>>
      tpu.wait_indirect_dma semaphore(%arg13 : memref<!tpu.dma_semaphore, #tpu.memory_space<semaphore_mem>>) src(%arg10 : memref<128x128xf32, #tpu.memory_space<vmem>>) dst(%dma_wait3A_100 : memref<10112x128xf32, #tpu.memory_space<vmem_shared>>)
      %scan3A_101 = arith.constant 0 : i32
      scf.yield %scan3A_101 : i32
    }
    %scan3A_81 = arith.constant 40 : i32
    %barrier3A_82 = arith.constant 0 : index
    tpu.barrier barrier_id(%barrier3A_82)
    %eq3A_83 = arith.constant 0 : i32
    %eq3A_84 = arith.cmpi eq, %arg0, %eq3A_83 : i32
    %convert_element_type3A_85 = arith.extui %eq3A_84 : i1 to i32
    %cond3A_86 = arith.constant 0 : i32
    %cond3A_87 = arith.cmpi ne, %convert_element_type3A_85, %cond3A_86 : i32
    scf.if %cond3A_87 {
      %run_scoped3A = arith.constant 0 : i32
      "tpu.region"() ({
        %run_scoped3A_93 = tpu.sem_alloc : memref<!tpu.dma_semaphore, #tpu.memory_space<semaphore_mem>>
        %dma_start3A = arith.constant 0 : i32
        %dma_start3A_94 = tpu.memref_slice %arg8[%run_scoped3A, %mul3A_9, %dma_start3A] : memref<2x10112x128xf32, #tpu.memory_space<hbm>> -> memref<1x632x128xf32, #tpu.memory_space<hbm>>
        %dma_start3A_95 = tpu.memref_squeeze %dma_start3A_94 : memref<1x632x128xf32, #tpu.memory_space<hbm>> -> memref<632x128xf32, #tpu.memory_space<hbm>>
        %dma_start3A_96 = arith.constant 0 : i32
        %dma_start3A_97 = tpu.memref_slice %arg9[%mul3A_9, %dma_start3A_96] : memref<10112x128xf32, #tpu.memory_space<vmem_shared>> -> memref<632x128xf32, #tpu.memory_space<vmem_shared>>
        tpu.enqueue_dma source(%dma_start3A_97 : memref<632x128xf32, #tpu.memory_space<vmem_shared>>) target(%dma_start3A_95 : memref<632x128xf32, #tpu.memory_space<hbm>>) target_semaphore(%run_scoped3A_93 : memref<!tpu.dma_semaphore, #tpu.memory_space<semaphore_mem>>)
        %dma_wait3A = arith.constant 0 : i32
        %dma_wait3A_98 = tpu.memref_slice %arg8[%run_scoped3A, %mul3A_9, %dma_wait3A] : memref<2x10112x128xf32, #tpu.memory_space<hbm>> -> memref<1x632x128xf32, #tpu.memory_space<hbm>>
        %dma_wait3A_99 = tpu.memref_squeeze %dma_wait3A_98 : memref<1x632x128xf32, #tpu.memory_space<hbm>> -> memref<632x128xf32, #tpu.memory_space<hbm>>
        %dma_wait3A_100 = arith.constant 0 : i32
        %dma_wait3A_101 = tpu.memref_slice %arg9[%mul3A_9, %dma_wait3A_100] : memref<10112x128xf32, #tpu.memory_space<vmem_shared>> -> memref<632x128xf32, #tpu.memory_space<vmem_shared>>
        tpu.wait_dma2 semaphore(%run_scoped3A_93 : memref<!tpu.dma_semaphore, #tpu.memory_space<semaphore_mem>>) src(%dma_wait3A_101 : memref<632x128xf32, #tpu.memory_space<vmem_shared>>) dst(%dma_wait3A_99 : memref<632x128xf32, #tpu.memory_space<hbm>>)
        tpu.yield
      }) : () -> ()
    } else {
    }
    %eq3A_88 = arith.constant 1 : i32
    %eq3A_89 = arith.cmpi eq, %arg0, %eq3A_88 : i32
    %convert_element_type3A_90 = arith.extui %eq3A_89 : i1 to i32
    %cond3A_91 = arith.constant 0 : i32
    %cond3A_92 = arith.cmpi ne, %convert_element_type3A_90, %cond3A_91 : i32
    scf.if %cond3A_92 {
      %run_scoped3A = arith.constant 1 : i32
      "tpu.region"() ({
        %run_scoped3A_93 = tpu.sem_alloc : memref<!tpu.dma_semaphore, #tpu.memory_space<semaphore_mem>>
        %dma_start3A = arith.constant 0 : i32
        %dma_start3A_94 = tpu.memref_slice %arg8[%run_scoped3A, %mul3A_9, %dma_start3A] : memref<2x10112x128xf32, #tpu.memory_space<hbm>> -> memref<1x632x128xf32, #tpu.memory_space<hbm>>
        %dma_start3A_95 = tpu.memref_squeeze %dma_start3A_94 : memref<1x632x128xf32, #tpu.memory_space<hbm>> -> memref<632x128xf32, #tpu.memory_space<hbm>>
        %dma_start3A_96 = arith.constant 0 : i32
        %dma_start3A_97 = tpu.memref_slice %arg9[%mul3A_9, %dma_start3A_96] : memref<10112x128xf32, #tpu.memory_space<vmem_shared>> -> memref<632x128xf32, #tpu.memory_space<vmem_shared>>
        tpu.enqueue_dma source(%dma_start3A_97 : memref<632x128xf32, #tpu.memory_space<vmem_shared>>) target(%dma_start3A_95 : memref<632x128xf32, #tpu.memory_space<hbm>>) target_semaphore(%run_scoped3A_93 : memref<!tpu.dma_semaphore, #tpu.memory_space<semaphore_mem>>)
        %dma_wait3A = arith.constant 0 : i32
        %dma_wait3A_98 = tpu.memref_slice %arg8[%run_scoped3A, %mul3A_9, %dma_wait3A] : memref<2x10112x128xf32, #tpu.memory_space<hbm>> -> memref<1x632x128xf32, #tpu.memory_space<hbm>>
        %dma_wait3A_99 = tpu.memref_squeeze %dma_wait3A_98 : memref<1x632x128xf32, #tpu.memory_space<hbm>> -> memref<632x128xf32, #tpu.memory_space<hbm>>
        %dma_wait3A_100 = arith.constant 0 : i32
        %dma_wait3A_101 = tpu.memref_slice %arg9[%mul3A_9, %dma_wait3A_100] : memref<10112x128xf32, #tpu.memory_space<vmem_shared>> -> memref<632x128xf32, #tpu.memory_space<vmem_shared>>
        tpu.wait_dma2 semaphore(%run_scoped3A_93 : memref<!tpu.dma_semaphore, #tpu.memory_space<semaphore_mem>>) src(%dma_wait3A_101 : memref<632x128xf32, #tpu.memory_space<vmem_shared>>) dst(%dma_wait3A_99 : memref<632x128xf32, #tpu.memory_space<hbm>>)
        tpu.yield
      }) : () -> ()
    } else {
    }
    return
  }
}

module attributes {stable_mosaic.version = 14 : i64} {
  func.func @_tc_tail(%arg0: i32, %arg1: memref<2000x128xf32, #tpu.memory_space<vmem>>, %arg2: memref<2000x128xf32, #tpu.memory_space<vmem>>, %arg3: memref<2x2000x128xf32, #tpu.memory_space<vmem>>, %arg4: memref<256x256xf32, #tpu.memory_space<vmem>>, %arg5: memref<1x256xf32, #tpu.memory_space<vmem>>, %arg6: memref<2000x32xf32, #tpu.memory_space<vmem>>, %arg7: memref<2000x288xf32, #tpu.memory_space<vmem>>) attributes {dimension_semantics = [#tpu.dimension_semantics<arbitrary>], iteration_bounds = array<i64: 5>, scalar_prefetch = 0 : i64, scratch_operands = 0 : i64, tpu.core_type = #tpu.core_type<tc>, window_params = [{transform_indices = @transform_0, window_bounds = array<i64: 2000, 128>}, {transform_indices = @transform_1, window_bounds = array<i64: 2000, 128>}, {transform_indices = @transform_2, window_bounds = array<i64: 2, 2000, 128>}, {pipeline_mode = #tpu.pipeline_mode<synchronous>, transform_indices = @transform_3, window_bounds = array<i64: 256, 256>}, {pipeline_mode = #tpu.pipeline_mode<synchronous>, transform_indices = @transform_4, window_bounds = array<i64: 1, 256>}, {transform_indices = @transform_5, window_bounds = array<i64: 2000, 32>}, {transform_indices = @transform_6, window_bounds = array<i64: 2000, 288>}]} {
    %get3A = arith.constant 0 : index
    %get3A_0 = arith.constant 0 : index
    %get3A_1 = vector.load %arg1[%get3A, %get3A_0] : memref<2000x128xf32, #tpu.memory_space<vmem>>, vector<2000x128xf32>
    %get3A_2 = arith.constant 0 : index
    %get3A_3 = arith.constant 0 : index
    %get3A_4 = vector.load %arg4[%get3A_2, %get3A_3] : memref<256x256xf32, #tpu.memory_space<vmem>>, vector<128x256xf32>
    %dot_general3A = arith.constant dense<0.000000e+00> : vector<2000x256xf32>
    %dot_general3A_5 = tpu.matmul %get3A_1, %get3A_4, %dot_general3A {dimension_numbers = #tpu.dot_dimension_numbers<[1], [0], [0], [1], [0, 0, 1, 1], [], []>, transpose_lhs_hint = false} : vector<2000x128xf32>, vector<128x256xf32>, vector<2000x256xf32> -> vector<2000x256xf32>
    %get3A_6 = arith.constant 0 : index
    %get3A_7 = arith.constant 0 : index
    %get3A_8 = vector.load %arg2[%get3A_6, %get3A_7] : memref<2000x128xf32, #tpu.memory_space<vmem>>, vector<2000x128xf32>
    %get3A_9 = arith.constant 128 : index
    %get3A_10 = arith.constant 0 : index
    %get3A_11 = vector.load %arg4[%get3A_9, %get3A_10] : memref<256x256xf32, #tpu.memory_space<vmem>>, vector<128x256xf32>
    %dot_general3A_12 = arith.constant dense<0.000000e+00> : vector<2000x256xf32>
    %dot_general3A_13 = tpu.matmul %get3A_8, %get3A_11, %dot_general3A_12 {dimension_numbers = #tpu.dot_dimension_numbers<[1], [0], [0], [1], [0, 0, 1, 1], [], []>, transpose_lhs_hint = false} : vector<2000x128xf32>, vector<128x256xf32>, vector<2000x256xf32> -> vector<2000x256xf32>
    %add3A = arith.addf %dot_general3A_5, %dot_general3A_13 : vector<2000x256xf32>
    %get3A_14 = arith.constant 0 : index
    %get3A_15 = arith.constant 0 : index
    %get3A_16 = arith.constant 0 : index
    %get3A_17 = vector.load %arg3[%get3A_14, %get3A_15, %get3A_16] : memref<2x2000x128xf32, #tpu.memory_space<vmem>>, vector<1x2000x1xf32>
    %get3A_18 = vector.shape_cast %get3A_17 : vector<1x2000x1xf32> to vector<2000x1xf32>
    %get3A_19 = arith.constant 1 : index
    %get3A_20 = arith.constant 0 : index
    %get3A_21 = arith.constant 0 : index
    %get3A_22 = vector.load %arg3[%get3A_19, %get3A_20, %get3A_21] : memref<2x2000x128xf32, #tpu.memory_space<vmem>>, vector<1x2000x1xf32>
    %get3A_23 = vector.shape_cast %get3A_22 : vector<1x2000x1xf32> to vector<2000x1xf32>
    %add3A_24 = arith.addf %get3A_18, %get3A_23 : vector<2000x1xf32>
    %add3A_25 = arith.constant 1.000000e+00 : f32
    %add3A_26 = vector.broadcast %add3A_25 : f32 to vector<2000x1xf32>
    %add3A_27 = arith.addf %add3A_24, %add3A_26 : vector<2000x1xf32>
    %rsqrt3A = math.rsqrt %add3A_27 : vector<2000x1xf32>
    %mul3A = vector.broadcast %rsqrt3A : vector<2000x1xf32> to vector<2000x256xf32>
    %mul3A_28 = arith.mulf %add3A, %mul3A : vector<2000x256xf32>
    %get3A_29 = arith.constant 0 : index
    %get3A_30 = arith.constant 0 : index
    %get3A_31 = vector.load %arg5[%get3A_29, %get3A_30] : memref<1x256xf32, #tpu.memory_space<vmem>>, vector<1x256xf32>
    %add3A_32 = vector.broadcast %get3A_31 : vector<1x256xf32> to vector<2000x256xf32>
    %add3A_33 = arith.addf %mul3A_28, %add3A_32 : vector<2000x256xf32>
    %max3A = arith.constant 0.000000e+00 : f32
    %max3A_34 = vector.broadcast %max3A : f32 to vector<2000x256xf32>
    %max3A_35 = arith.maximumf %add3A_33, %max3A_34 : vector<2000x256xf32>
    %get3A_36 = arith.constant 0 : index
    %get3A_37 = arith.constant 0 : index
    %get3A_38 = vector.load %arg6[%get3A_36, %get3A_37] : memref<2000x32xf32, #tpu.memory_space<vmem>>, vector<2000x32xf32>
    %abs3A = math.absf %get3A_38 : vector<2000x32xf32>
    %concatenate3A = tpu.concatenate %max3A_35, %abs3A in 1 : vector<2000x256xf32>, vector<2000x32xf32> -> vector<2000x288xf32>
    %swap3A = arith.constant 0 : index
    %swap3A_39 = arith.constant 0 : index
    %swap3A_40 = vector.load %arg7[%swap3A, %swap3A_39] : memref<2000x288xf32, #tpu.memory_space<vmem>>, vector<2000x288xf32>
    tpu.vector_store %arg7[%swap3A, %swap3A_39], %concatenate3A {strides = array<i32>} : memref<2000x288xf32, #tpu.memory_space<vmem>>, vector<2000x288xf32>,
    return
  }
  func.func @transform_0(%arg0: i32) -> (i32, i32) {
    %c0_i32 = arith.constant 0 : i32
    %c0_i32_0 = arith.constant 0 : i32
    return %arg0, %c0_i32 : i32, i32
  }
  func.func @transform_1(%arg0: i32) -> (i32, i32) {
    %c0_i32 = arith.constant 0 : i32
    %c0_i32_0 = arith.constant 0 : i32
    return %arg0, %c0_i32 : i32, i32
  }
  func.func @transform_2(%arg0: i32) -> (i32, i32, i32) {
    %c0_i32 = arith.constant 0 : i32
    %c0_i32_0 = arith.constant 0 : i32
    %c0_i32_1 = arith.constant 0 : i32
    return %c0_i32, %arg0, %c0_i32_0 : i32, i32, i32
  }
  func.func @transform_3(%arg0: i32) -> (i32, i32) {
    %c0_i32 = arith.constant 0 : i32
    %c0_i32_0 = arith.constant 0 : i32
    %c0_i32_1 = arith.constant 0 : i32
    return %c0_i32, %c0_i32_0 : i32, i32
  }
  func.func @transform_4(%arg0: i32) -> (i32, i32) {
    %c0_i32 = arith.constant 0 : i32
    %c0_i32_0 = arith.constant 0 : i32
    %c0_i32_1 = arith.constant 0 : i32
    return %c0_i32, %c0_i32_0 : i32, i32
  }
  func.func @transform_5(%arg0: i32) -> (i32, i32) {
    %c0_i32 = arith.constant 0 : i32
    %c0_i32_0 = arith.constant 0 : i32
    return %arg0, %c0_i32 : i32, i32
  }
  func.func @transform_6(%arg0: i32) -> (i32, i32) {
    %c0_i32 = arith.constant 0 : i32
    %c0_i32_0 = arith.constant 0 : i32
    return %arg0, %c0_i32 : i32, i32
  }
}

</mosaic_0001>

<sc_bundles>
// kernel: kernel.4.cloned.1.call-start
scs
__scs_entry_jumppad:
0x0: {  	(pc) =	sbr.rel $0x88, $3  }
0x1: {  	(tag) =	ssettag $0x0;
	lr =	simm.s32 $0x1  }
0x2: {  	[smem:$0x3F9C] =	sst lr;
	_ =	strace $0xD0000000  }
0x3: {  	_ = 	snop  }
0x4: {  	_ = 	snop  }
0x5: {  	_ = 	snop  }
0x6: {  	_ = 	snop  }
0x7: {  	_ = 	snop  }
__scs_overlays_trampoline_lowered:
0x8: {  	[smem:$0x3FAB] =	sst s0  }
0x9: {  	[smem:$0x3FAC] =	sst s1  }
0xa: {  	[smem:$0x3FAD] =	sst s2  }
0xb: {  	[smem:$0x3FAE] =	sst s3  }
0xc: {  	[smem:$0x3FAF] =	sst s4  }
0xd: {  	[smem:$0x3FB0] =	sst s5  }
0xe: {  	[smem:$0x3FB1] =	sst s6  }
0xf: {  	[smem:$0x3FB2] =	sst s7  }
0x10: {  	[smem:$0x3FB3] =	sst s8  }
0x11: {  	[smem:$0x3FB4] =	sst s9;
	s0 =	simm.s32 @!p0 $0x0  }
0x12: {  	s1 =	sld [smem:$0x3F9A];
	s0 =	simm.s32 @p0 $0x1  }
0x13: {  	[smem:$0x3FB5] =	sst s0;
	s0 =	simm.s32 @!p1 $0x0  }
0x14: {  	s2 =	sld [smem:$0x3F99];
	s0 =	simm.s32 @p1 $0x1  }
0x15: {  	[smem:$0x3FB6] =	sst s0;
	s0 =	simm.s32 @!p2 $0x0  }
0x16: {  	s3 =	sld [smem:$0x3FDB];
	s0 =	simm.s32 @p2 $0x1  }
0x17: {  	s4 =	simm.s32 $0x1BF5;
	[smem:$0x3FB8] =	sst s0  }
0x18: {  	s0 =	sld [smem:$0x3F9B];
	_ =	swait.ge [sflag:s4], $0x0  }
0x19: {  	s7 =	sld [smem:$0x3F9C]  }
0x1a: {  	s8 =	sadd.s32 $0xFFFFE003, lr  }
0x1b: {  	s9 =	sadd.s32 $0xFFFFFEF7, lr;
	s5 =	simm.s32 $0xFFFFFFFF;
	p2 =	slt.u32 s8, $0xFFFFF086  }
0x1c: {  	p1 =	slt.u32 s9, $0xF7A;
	s5 =	simm.s32 @!p2 $0x0  }
0x1d: {  	s5 =	simm.s32 @p1 $0x1;
	p0 =	seq.s32 s7, s2  }
0x1e: {  	s7 =	smul.u32 @!p0 $0xF7A, s2;
	p2 =	seq.s32 @!p0 s5, $0x0  }
0x1f: {  	s9 =	smul.u32 $0xF7A, s1;
	s8 =	simm.s32 @!p0 $0x1BF5;
	p2 =	por !p2, p0  }
0x20: {  	[sflag:s8] =	ssyncset.s32 @!p0 $0xFFFFF086;
	s6 =	sadd.s32 @!p0 s3, s7;
	s7 =	simm.s32 @!p0 $0x108  }
0x21: {  	s3 =	sadd.s32 s3, s9;
	s6 =	sadd.s32 @!p0 $0x88, s6;
	s7 =	simm.s32 @p2 $0x1082  }
0x22: {  	[simem:s7], [sflag:s8] =	dma.local @!p0 [hbm:s6], $0xF7A  }
0x23: {  	s9 =	sor.u32 $0xD0000000, s2;
	s6 =	simm.s32 $0x108;
	_ =	swait.ge @!p0 [sflag:s8], $0x0  }
0x24: {  	s3 =	sadd.s32 $0x88, s3;
	s6 =	simm.s32 @!p1 $0x1082;
	[sflag:s4] =	ssyncset.s32 $0xFFFFF086  }
0x25: {  	[simem:s6], [sflag:s4] =	dma.local [hbm:s3], $0xF7A  }
0x26: {  	[smem:$0x3F9C] =	sst s1;
	(tag) =	ssettag s2;
	_ =	strace s9  }
0x27: {  	s1 =	sld [smem:$0x3FAC]  }
0x28: {  	s2 =	sld [smem:$0x3FAD]  }
0x29: {  	s4 =	sld [smem:$0x3FAF]  }
0x2a: {  	p0 =	seq.s32 s5, $0x0;
	s5 =	sld [smem:$0x3FB0]  }
0x2b: {  	s6 =	sld [smem:$0x3FB1]  }
0x2c: {  	s7 =	sld [smem:$0x3FB2]  }
0x2d: {  	s3 =	simm.s32 $0x108;
	s8 =	sld [smem:$0x3FB3]  }
0x2e: {  	s3 =	simm.s32 @!p0 $0x1082;
	s9 =	sld [smem:$0x3FB4]  }
0x2f: {  	lr =	sadd.s32 s0, s3;
	s0 =	sld [smem:$0x3FAB]  }
0x30: {  	s3 =	sld [smem:$0x3FAE]  }
0x31: {  	[smem:$0x3FB7] =	sst s10  }
0x32: {  	s10 =	sld [smem:$0x3FB5];
	_ =	sdelay $0x3  }
0x33: {  	p0 =	seq.s32 s10, $0x1;
	s10 =	sld [smem:$0x3FB7];
	_ =	sdelay $0x3  }
0x34: {  	[smem:$0x3FB7] =	sst s10  }
0x35: {  	s10 =	sld [smem:$0x3FB6];
	_ =	sdelay $0x3  }
0x36: {  	p1 =	seq.s32 s10, $0x1;
	s10 =	sld [smem:$0x3FB7];
	_ =	sdelay $0x3  }
0x37: {  	[smem:$0x3FB7] =	sst s10  }
0x38: {  	s10 =	sld [smem:$0x3FB8]  }
0x39: {  	_ = 	snop;
	(pc) =	sbr.ind lr, $3  }
0x3a: {  	_ = 	snop  }
0x3b: {  	_ = 	snop  }
0x3c: {  	p2 =	seq.s32 s10, $0x1;
	s10 =	sld [smem:$0x3FB7]  }
0x3d: {  	_ =	shalt  }
0x3e: {  	_ =	shalt  }
0x3f: {  	_ =	shalt  }
0x40: {  	_ =	shalt  }
0x41: {  	_ =	shalt  }
0x42: {  	_ =	shalt  }
0x43: {  	_ =	shalt  }
0x44: {  	_ =	shalt  }
0x45: {  	_ =	shalt  }
0x46: {  	_ =	shalt  }
0x47: {  	_ =	shalt  }
0x48: {  	_ =	shalt  }
0x49: {  	_ =	shalt  }
0x4a: {  	_ =	shalt  }
0x4b: {  	_ =	shalt  }
0x4c: {  	_ =	shalt  }
0x4d: {  	_ =	shalt  }
0x4e: {  	_ =	shalt  }
0x4f: {  	_ =	shalt  }
0x50: {  	_ =	shalt  }
0x51: {  	_ =	shalt  }
0x52: {  	_ =	shalt  }
0x53: {  	_ =	shalt  }
0x54: {  	_ =	shalt  }
0x55: {  	_ =	shalt  }
0x56: {  	_ =	shalt  }
0x57: {  	_ =	shalt  }
0x58: {  	_ =	shalt  }
0x59: {  	_ =	shalt  }
0x5a: {  	_ =	shalt  }
0x5b: {  	_ =	shalt  }
0x5c: {  	_ =	shalt  }
0x5d: {  	_ =	shalt  }
0x5e: {  	_ =	shalt  }
0x5f: {  	_ =	shalt  }
0x60: {  	_ =	shalt  }
0x61: {  	_ =	shalt  }
0x62: {  	_ =	shalt  }
0x63: {  	_ =	shalt  }
0x64: {  	_ =	shalt  }
0x65: {  	_ =	shalt  }
0x66: {  	_ =	shalt  }
0x67: {  	_ =	shalt  }
0x68: {  	_ =	shalt  }
0x69: {  	_ =	shalt  }
0x6a: {  	_ =	shalt  }
0x6b: {  	_ =	shalt  }
0x6c: {  	_ =	shalt  }
0x6d: {  	_ =	shalt  }
0x6e: {  	_ =	shalt  }
0x6f: {  	_ =	shalt  }
0x70: {  	_ =	shalt  }
0x71: {  	_ =	shalt  }
0x72: {  	_ =	shalt  }
0x73: {  	_ =	shalt  }
0x74: {  	_ =	shalt  }
0x75: {  	_ =	shalt  }
0x76: {  	_ =	shalt  }
0x77: {  	_ =	shalt  }
0x78: {  	_ =	shalt  }
0x79: {  	_ =	shalt  }
0x7a: {  	_ =	shalt  }
0x7b: {  	_ =	shalt  }
0x7c: {  	_ =	shalt  }
0x7d: {  	_ =	shalt  }
0x7e: {  	_ =	shalt  }
0x7f: {  	_ =	shalt  }
0x80: {  	_ =	shalt  }
0x81: {  	_ =	shalt  }
0x82: {  	_ =	shalt  }
0x83: {  	_ =	shalt  }
0x84: {  	_ =	shalt  }
0x85: {  	_ =	shalt  }
0x86: {  	_ =	shalt  }
0x87: {  	_ =	shalt  }
.Lfunc_end0:
.L_simem_size_0:
called_computation_lowered:
.L_overlay_start_0:
0x88: {  	s2 =	sld [smem:$0x3FD9]  }
0x89: {  	s3 =	sld [smem:$0x3FFE];
	_ =	sdelay $0x1  }
0x8a: {  	s1 =	srdreg.scid  }
0x8b: {  	s0 =	sand.u32 $0x1, s1  }
0x8c: {  	s17 =	sshll.u32 s0, $0xA;
	s2 =	sadd.s32 s3, s2  }
0x8d: {  	s2 =	sadd.s32 s2, s17  }
0x8e: {  	[smem:$0x3FC3] =	sst s2  }
0x8f: {  	_ = 	snop  }
0x90: {  	s2 =	sld [smem:$0x3FD0];
	(tm) =	ssettm $0x1  }
0x91: {  	s18 =	sld [smem:$0x3FFB];
	_ =	sdelay $0x3  }
0x92: {  	_ =	strace s18  }
0x93: {  	s3 =	sld [smem:$0x3FFC];
	_ =	sdelay $0x3  }
0x94: {  	_ =	strace s3  }
0x95: {  	s3 =	sld [smem:$0x3FFD];
	_ =	sdelay $0x3  }
0x96: {  	_ =	strace s3  }
0x97: {  	_ =	strace $0x8FFFFFFF  }
0x98: {  	s19 =	sld [smem:$0x3FDB];
	_ =	sdelay $0x1  }
0x99: {  	s4 =	simm.s32 $_scs_section_size  }
0x9a: {  	s5 =	simm.s32 $_size__tile_overlayer_lowered;
	s6 =	simm.s32 $_tile_overlayer_lowered  }
0x9b: {  	s22 =	simm.s32 $0x1BFF;
	s21 =	sshll.u32 s6, $0x1;
	s3 =	sadd.s32 s4, s19  }
0x9c: {  	s7 =	simm.s32 $0x0;
	s20 =	sshll.u32 s5, $0x1;
	s5 =	sadd.s32 s21, s3  }
0x9d: {  	[timem:s7], [sflag:s22] =	dma.local [hbm:s5], s20  }
0x9e: {  	_ =	swait.ge [sflag:s22], s20  }
0x9f: {  	s4 =	ssub.s32 $0x0, s20;
	[sflag:s22] =	ssyncset.done $0x0  }
0xa0: {  	[sflag:s22] =	ssyncadd.s32 s4;
	_ =	sdelay $0x1  }
0xa1: {  	s23 =	simm.s32 $0x1B8B  }
0xa2: {  	_ =	swait.ge [sflag:s23], $0x1  }
0xa3: {  	[sflag:s23] =	ssyncset.done $0x0  }
0xa4: {  	s25 =	simm.s32 $0x1B8E;
	s24 =	sld [smem:$0x3FFE];
	[sflag:s23] =	ssyncadd.s32 $0xFFFFFFFF  }
0xa5: {  	s26 =	simm.s32 $execute0_lowered;
	[smem:$0x3FD2] =	sst s25  }
0xa6: {  	s5 =	sshll.u32 s26, $0x1;
	_ =	strace $0x80000046;
	[dreg:$0x1] =	wrdreg $0xFFFFFFFF  }
0xa7: {  	s28 =	simm.s32 $_size_execute0_lowered;
	s3 =	sadd.s32 s3, s5;
	[dreg:$0x0] =	wrdreg $0x0  }
0xa8: {  	s5 =	sshll.u32 s28, $0x1;
	[dreg:$0x2] =	wrdreg s3  }
0xa9: {  	[dreg:$0x3] =	wrdreg s5  }
0xaa: {  	[dreg:$0x4] =	wrdreg $0xC0  }
0xab: {  	_ =	task [dreg:s7], $0x5FFFF  }
0xac: {  	[dreg:$0x1] =	wrdreg $0xFFFFFFFF  }
0xad: {  	[dreg:$0x0] =	wrdreg $0x60  }
0xae: {  	[dreg:$0x2] =	wrdreg s24  }
0xaf: {  	[dreg:$0x3] =	wrdreg s2  }
0xb0: {  	[dreg:$0x4] =	wrdreg $0x0  }
0xb1: {  	[dreg:$0x5] =	wrdreg $0x9  }
0xb2: {  	_ =	task.clear_ibuf [dreg:s7], $0x6FFFF;
	_ =	strace $0x90000046  }
0xb3: {  	s29 =	simm.s32 $0x9;
	_ =	strace $0x80000048  }
0xb4: {  	_ =	swait.ge [sflag:s29], $0x1  }
0xb5: {  	[sflag:s29] =	ssyncadd.s32 $0xFFFFFFFF  }
0xb6: {  	_ =	strace $0x90000048  }
0xb7: {  	_ =	sfence  }
0xb8: {  	s30 =	sld [smem:$0x0];
	_ =	sdelay $0x2  }
0xb9: {  	s31 =	sshll.u32 s1, $0xD;
	s1 =	sshrl.u32 s1, $0x2  }
0xba: {  	s3 =	sand.u32 $0x4000, s31;
	s1 =	sadd.s32 s1, s30  }
0xbb: {  	s0 =	sor.u32 s3, s0;
	s1 =	sshll.u32 s1, $0x11  }
0xbc: {  	s0 =	sor.u32 s1, s0  }
0xbd: {  	s0 =	sadd.s32 $0x8F2B, s0  }
0xbe: {  	[sflag:s0] =	ssyncadd.remote.s32 $0x1  }
0xbf: {  	_ =	sfence.sel $0xFFFF  }
0xc0: {  	[dreg:$0x0] =	wrdreg $0xFFFFFFFF;
	(pc) =	sbr.abs _section_cstart, $3  }
0xc1: {  	[dreg:$0x1] =	wrdreg $0xFFFFFFFF  }
0xc2: {  	_ =	task.clear_ibuf [dreg:s7], $0x2FFFF;
	_ =	strace $0x9FFFFFFF  }
0xc3: {  	(tm) =	ssettm $0x7FFFFFFF  }
tec
execute0_lowered:
.L_overlay_start_1:
0x0: {  	(tag) =	ssettag $0x1  }
0x1: {  	s0 =	rddreg [dreg:$0x0]  }
0x2: {  	s2 =	rddreg [dreg:$0x1]  }
0x3: {  	s1 =	rddreg [dreg:$0x2];
	s3 =	srdreg.scid;
	s4 =	simm.s32 $0x0  }
0x4: {  	s17 =	stileid.u32;
	s20 =	simm.s32 $0x13C00;
	s21 =	simm.s32 $0x3  }
0x5: {  	s28 =	simm.s32 $0x17C00;
	s29 =	simm.s32 $0x1BD40;
	s6 =	smul.u32 $0x280, s17  }
0x6: {  	s30 =	simm.s32 $0x19C00;
	s31 =	simm.s32 $0x1;
	s22 =	smul.u32 $0x4F000, s17  }
0x7: {  	s3 =	sand.u32 $0x1, s3;
	[smem:$0x7FF] =	sst s4;
	s25 =	smul.u32 $0xA00, s17  }
0x8: {  	s4 =	sadd.s32 $0x5E00, s0;
	s12 =	sadd.s32 $0x5E000, s0;
	s13 =	smul.u32 $0x5000, s17  }
0x9: {  	s14 =	sadd.s32 $0x54000, s0;
	s7 =	sadd.s32 $0x68000, s0;
	s15 =	smul.u32 $0x13C00, s17  }
0xa: {  	s5 =	smul.u32 $0x2800, s3;
	_ =	strace $0x80000047;
	s23 =	ssub.s32 $0x2, s3  }
0xb: {  	[dreg:$0x4] =	wrdreg s7;
	p0 =	seq.s32 s3, $0x0;
	s24 =	sshrl.u32 s23, $0x1  }
0xc: {  	s16 =	sadd.s32 s14, s25;
	s13 =	sshrl.u32 s13, $0x3;
	s15 =	sshrl.u32 s15, $0x3  }
0xd: {  	s5 =	sadd.s32 s6, s5;
	s6 =	sshrl.u32 s22, $0x2;
	[dreg:$0x6] =	wrdreg s16  }
0xe: {  	s26 =	sadd.s32 $0x500, s13;
	s13 =	smul.u32 $0x2780, s17;
	s22 =	simm.s32 $0x1BC00  }
0xf: {  	s16 =	simm.s32 $0x0;
	s5 =	sadd.s32 s5, s0;
	s0 =	sadd.s32 $0x8F800, s0  }
0x10: {  	s7 =	sadd.s32 s6, s1;
	s14 =	sadd.s32 s14, s26;
	s6 =	sadd.s32 s12, s25  }
0x11: {  	s12 =	sadd.s32 s12, s26;
	s25 =	simm.s32 $0x15C00;
	s26 =	simm.s32 $0x1BD00  }
0x12: {  	[dreg:$0x5] =	wrdreg s0;
	s0 =	ssub.s32 s23, s24;
	s8 =	sadd.s32 $0x4000, s7  }
0x13: {  	s9 =	sadd.s32 $0x8000, s7;
	s10 =	sadd.s32 $0xC000, s7;
	[dreg:$0x7] =	wrdreg s14  }
0x14: {  	s11 =	sadd.s32 $0x10000, s7;
	[dreg:$0x8] =	wrdreg s6;
	s6 =	sadd.s32 $0x27800, s15  }
0x15: {  	[dreg:$0x9] =	wrdreg s12;
	s17 =	sadd.s32 $0xE00, s5;
	s23 =	simm.s32 $0x40  }
0x16: {  	s24 =	simm.s32 $0x1BC40;
	s5 =	simm.s32 $0x1E280;
	s6 =	smov.u32 @p0 s13  }
0x17: {  	s18 =	smax.u32 s0, $0x1;
	p0 =	sne.s32 s3, $0x0;
	s0 =	simm.s32 $0x80  }
0x18: {  	v0 =	vimm.f32 $0.0e+00;
	v1 =	vimm.f32 $1.000000000e+00;
	s3 =	simm.s32 $0x2;
	s19 =	sadd.s32 s2, s6;
	s6 =	simm.s32 $0x1E380  }
.LBB2_1:
0x19: {  	s14 =	simm.s32 $0x0;
	s12 =	simm.s32 $0x200  }
.LBB2_2:
0x1a: {  	p1 =	sne.s32 s12, $0xFE00;
	[tilespmem:s14+$0x13C70] =	vst v0  }
0x1b: {  	[tilespmem:s14+$0x13C00] =	vst v0  }
0x1c: {  	[tilespmem:s14+$0x13C10] =	vst v0  }
.Ltmp0:
0x1d: {  	[tilespmem:s14+$0x13C20] =	vst v0;
	(pc) =	sbr.rel @p1 .LBB2_2-.Ltmp0, $4  }
0x1e: {  	[tilespmem:s14+$0x13C30] =	vst v0  }
0x1f: {  	[tilespmem:s14+$0x13C40] =	vst v0  }
0x20: {  	[tilespmem:s14+$0x13C50] =	vst v0  }
0x21: {  	[tilespmem:s14+$0x13C60] =	vst v0;
	s14 =	sshra.s32 s12, $0x2;
	s12 =	sadd.s32 $0x200, s12  }
0x22: {  	[tilespmem:s14+$0x13C70] =	vst v0  }
0x23: {  	[tilespmem:s14+$0x13C00] =	vst v0  }
0x24: {  	[tilespmem:s14+$0x13C10] =	vst v0  }
0x25: {  	[tilespmem:s14+$0x13C20] =	vst v0  }
0x26: {  	[tilespmem:s14+$0x13C30] =	vst v0  }
0x27: {  	[tilespmem:s14+$0x13C40] =	vst v0  }
0x28: {  	[tilespmem:s14+$0x13C50] =	vst v0  }
0x29: {  	[tilespmem:s14+$0x13C60] =	vst v0  }
0x2a: {  	[spmem:s7] =	stream.linear.scatter [tilespmem:s20], [sflag:$0x3], $0x4000, $0x38;
	[tilespmem:$0x1E400] =	vst v63  }
0x2b: {  	_ =	swait.ge [sflag:s21], $0x4000  }
0x2c: {  	[sflag:s21] =	ssyncset.done $0x0  }
0x2d: {  	[sflag:s21] =	ssyncadd.s32 $0xFFFFC000  }
0x2e: {  	[spmem:s8] =	stream.linear.scatter [tilespmem:s20], [sflag:$0x3], $0x4000, $0x38;
	[tilespmem:$0x1E400] =	vst v63  }
0x2f: {  	_ =	swait.ge [sflag:s21], $0x4000  }
0x30: {  	[sflag:s21] =	ssyncset.done $0x0  }
0x31: {  	[sflag:s21] =	ssyncadd.s32 $0xFFFFC000  }
0x32: {  	[spmem:s9] =	stream.linear.scatter [tilespmem:s20], [sflag:$0x3], $0x4000, $0x38;
	[tilespmem:$0x1E400] =	vst v63  }
0x33: {  	_ =	swait.ge [sflag:s21], $0x4000  }
0x34: {  	[sflag:s21] =	ssyncset.done $0x0  }
0x35: {  	[sflag:s21] =	ssyncadd.s32 $0xFFFFC000  }
0x36: {  	[spmem:s10] =	stream.linear.scatter [tilespmem:s20], [sflag:$0x3], $0x4000, $0x38;
	[tilespmem:$0x1E400] =	vst v63  }
0x37: {  	_ =	swait.ge [sflag:s21], $0x4000  }
0x38: {  	[sflag:s21] =	ssyncset.done $0x0  }
0x39: {  	[sflag:s21] =	ssyncadd.s32 $0xFFFFC000  }
0x3a: {  	[spmem:s11] =	stream.linear.scatter [tilespmem:s20], [sflag:$0x3], $0x3C00, $0x38;
	[tilespmem:$0x1E400] =	vst v63  }
.Ltmp1:
0x3b: {  	_ =	swait.ge [sflag:s21], $0x3C00;
	(pc) =	sbr.rel @p0 .LBB2_9-.Ltmp1, $4  }
0x3c: {  	[sflag:s21] =	ssyncset.done $0x0  }
0x3d: {  	[sflag:s21] =	ssyncadd.s32 $0xFFFFC400  }
0x3e: {  	[bflag:$0x0] =	sbarrier.arrive $0xFFFF  }
0x3f: {  	s2 =	simm.s32 $0x0  }
0x40: {  	s12 =	rddreg [dreg:$0x8]  }
0x41: {  	[tilespmem:s22], [sflag:$0x3] =	stream.linear.gather [hbm4b:s12+s2], $0x2800, $0x38;
	[tilespmem:$0x1E400] =	vst v63  }
0x42: {  	_ =	swait.ge [sflag:s21], $0x2800  }
0x43: {  	[sflag:s21] =	ssyncset.done $0x0  }
0x44: {  	[sflag:s21] =	ssyncadd.s32 $0xFFFFD800  }
0x45: {  	[tilespmem:s20], [sflag:$0x1] =	stream.indirect.gather [hbm4b:s4+s23], $0x80, s22, s23, $0xb8;
	[tilespmem:$0x1E400] =	vst v63  }
0x46: {  	_ = 	snop  }
0x47: {  	[tilespmem:s25], [sflag:$0x1] =	stream.indirect.gather [hbm4b:s4+s23], $0x80, s24, s23, $0xb8;
	[tilespmem:$0x1E400] =	vst v63  }
0x48: {  	_ = 	snop  }
0x49: {  	[tilespmem:s28], [sflag:$0x2] =	stream.indirect.gather [hbm4b:s4+s23], $0x80, s26, s23, $0xb8;
	[tilespmem:$0x1E400] =	vst v63  }
0x4a: {  	_ = 	snop  }
0x4b: {  	[tilespmem:s30], [sflag:$0x2] =	stream.indirect.gather [hbm4b:s4+s23], $0x80, s29, s23, $0xb8;
	[tilespmem:$0x1E400] =	vst v63  }
0x4c: {  	_ =	swait.ge [sflag:s31], $0x2000  }
0x4d: {  	[sflag:s31] =	ssyncset.done $0x0  }
0x4e: {  	[sflag:s31] =	ssyncadd.s32 $0xFFFFE000  }
0x4f: {  	_ =	swait.ge [sflag:s31], $0x2000  }
0x50: {  	[sflag:s31] =	ssyncset.done $0x0  }
0x51: {  	s14 =	simm.s32 $0x1BC80;
	[sflag:s31] =	ssyncadd.s32 $0xFFFFE000  }
0x52: {  	[spmem:s1] =	stream.indirect.scatter.add.f32 [tilespmem:s20], [sflag:$0x3], $0x80, s14, s0, $0xb8;
	[tilespmem:$0x1E400] =	vst v63  }
0x53: {  	_ =	swait.ge [sflag:s21], $0x4000  }
0x54: {  	[sflag:s21] =	ssyncset.done $0x0  }
0x55: {  	s15 =	simm.s32 $0x1BE00;
	[sflag:s21] =	ssyncadd.s32 $0xFFFFC000  }
0x56: {  	[tilespmem:s20], [sflag:$0x1] =	stream.indirect.gather [hbm4b:s4+s23], $0x80, s15, s23, $0xb8;
	[tilespmem:$0x1E400] =	vst v63  }
0x57: {  	s12 =	simm.s32 $0x1BE40  }
0x58: {  	[tilespmem:s25], [sflag:$0x1] =	stream.indirect.gather [hbm4b:s4+s23], $0x80, s12, s23, $0xb8;
	[tilespmem:$0x1E400] =	vst v63  }
0x59: {  	_ =	swait.ge [sflag:s3], $0x2000  }
0x5a: {  	[sflag:s3] =	ssyncset.done $0x0  }
0x5b: {  	[sflag:s3] =	ssyncadd.s32 $0xFFFFE000  }
0x5c: {  	_ =	swait.ge [sflag:s3], $0x2000  }
0x5d: {  	[sflag:s3] =	ssyncset.done $0x0  }
0x5e: {  	s14 =	simm.s32 $0x1BD80;
	[sflag:s3] =	ssyncadd.s32 $0xFFFFE000  }
0x5f: {  	[spmem:s1] =	stream.indirect.scatter.add.f32 [tilespmem:s28], [sflag:$0x3], $0x80, s14, s0, $0xb8;
	[tilespmem:$0x1E400] =	vst v63  }
0x60: {  	_ =	swait.ge [sflag:s21], $0x4000  }
0x61: {  	s2 =	simm.s32 $0x1BF40;
	[sflag:s21] =	ssyncset.done $0x0  }
0x62: {  	s15 =	simm.s32 $0x1BF00;
	s14 =	simm.s32 $0x800;
	[sflag:s21] =	ssyncadd.s32 $0xFFFFC000  }
0x63: {  	[tilespmem:s28], [sflag:$0x2] =	stream.indirect.gather [hbm4b:s4+s23], $0x80, s15, s23, $0xb8;
	[tilespmem:$0x1E400] =	vst v63  }
.LBB2_5:
0x64: {  	[tilespmem:s30], [sflag:$0x2] =	stream.indirect.gather [hbm4b:s4+s23], $0x80, s2, s23, $0xb8;
	[tilespmem:$0x1E400] =	vst v63  }
0x65: {  	s2 =	smov.u32 s14  }
0x66: {  	p1 =	sne.s32 s14, $0x9000;
	s14 =	sadd.s32 $0x800, s14;
	_ =	swait.ge [sflag:s31], $0x2000  }
0x67: {  	[sflag:s31] =	ssyncset.done $0x0  }
0x68: {  	[sflag:s31] =	ssyncadd.s32 $0xFFFFE000  }
0x69: {  	_ =	swait.ge [sflag:s31], $0x2000  }
0x6a: {  	s2 =	sshra.s32 s2, $0x2;
	[sflag:s31] =	ssyncset.done $0x0  }
0x6b: {  	s12 =	sadd.s32 $0x1BC80, s2;
	[sflag:s31] =	ssyncadd.s32 $0xFFFFE000  }
0x6c: {  	[spmem:s1] =	stream.indirect.scatter.add.f32 [tilespmem:s20], [sflag:$0x3], $0x80, s12, s0, $0xb8;
	[tilespmem:$0x1E400] =	vst v63  }
0x6d: {  	_ =	swait.ge [sflag:s21], $0x4000  }
0x6e: {  	[sflag:s21] =	ssyncset.done $0x0  }
0x6f: {  	s12 =	sadd.s32 $0x1BE00, s2;
	[sflag:s21] =	ssyncadd.s32 $0xFFFFC000  }
0x70: {  	[tilespmem:s20], [sflag:$0x1] =	stream.indirect.gather [hbm4b:s4+s23], $0x80, s12, s23, $0xb8;
	[tilespmem:$0x1E400] =	vst v63  }
0x71: {  	s12 =	sadd.s32 $0x1BE40, s2  }
0x72: {  	[tilespmem:s25], [sflag:$0x1] =	stream.indirect.gather [hbm4b:s4+s23], $0x80, s12, s23, $0xb8;
	[tilespmem:$0x1E400] =	vst v63  }
0x73: {  	_ =	swait.ge [sflag:s3], $0x2000  }
0x74: {  	[sflag:s3] =	ssyncset.done $0x0  }
0x75: {  	[sflag:s3] =	ssyncadd.s32 $0xFFFFE000  }
0x76: {  	_ =	swait.ge [sflag:s3], $0x2000  }
0x77: {  	[sflag:s3] =	ssyncset.done $0x0  }
0x78: {  	s12 =	sadd.s32 $0x1BD80, s2;
	[sflag:s3] =	ssyncadd.s32 $0xFFFFE000  }
0x79: {  	[spmem:s1] =	stream.indirect.scatter.add.f32 [tilespmem:s28], [sflag:$0x3], $0x80, s12, s0, $0xb8;
	[tilespmem:$0x1E400] =	vst v63  }
.Ltmp2:
0x7a: {  	_ =	swait.ge [sflag:s21], $0x4000;
	(pc) =	sbr.rel @p1 .LBB2_5-.Ltmp2, $4  }
0x7b: {  	[sflag:s21] =	ssyncset.done $0x0  }
0x7c: {  	s12 =	sadd.s32 $0x1BF00, s2;
	[sflag:s21] =	ssyncadd.s32 $0xFFFFC000  }
0x7d: {  	[tilespmem:s28], [sflag:$0x2] =	stream.indirect.gather [hbm4b:s4+s23], $0x80, s12, s23, $0xb8;
	[tilespmem:$0x1E400] =	vst v63  }
0x7e: {  	s2 =	sadd.s32 $0x1BF40, s2  }
0x7f: {  	[tilespmem:s30], [sflag:$0x2] =	stream.indirect.gather [hbm4b:s4+s23], $0x80, s2, s23, $0xb8;
	[tilespmem:$0x1E400] =	vst v63  }
0x80: {  	_ =	swait.ge [sflag:s31], $0x2000  }
0x81: {  	[sflag:s31] =	ssyncset.done $0x0  }
0x82: {  	[sflag:s31] =	ssyncadd.s32 $0xFFFFE000  }
0x83: {  	_ =	swait.ge [sflag:s31], $0x2000  }
0x84: {  	[sflag:s31] =	ssyncset.done $0x0  }
0x85: {  	[sflag:s31] =	ssyncadd.s32 $0xFFFFE000  }
0x86: {  	[spmem:s1] =	stream.indirect.scatter.add.f32 [tilespmem:s20], [sflag:$0x3], $0x80, s5, s0, $0xb8;
	[tilespmem:$0x1E400] =	vst v63  }
0x87: {  	_ =	swait.ge [sflag:s21], $0x4000  }
0x88: {  	[sflag:s21] =	ssyncset.done $0x0  }
0x89: {  	[sflag:s21] =	ssyncadd.s32 $0xFFFFC000  }
0x8a: {  	_ =	swait.ge [sflag:s3], $0x2000  }
0x8b: {  	[sflag:s3] =	ssyncset.done $0x0  }
0x8c: {  	[sflag:s3] =	ssyncadd.s32 $0xFFFFE000  }
0x8d: {  	_ =	swait.ge [sflag:s3], $0x2000  }
0x8e: {  	[sflag:s3] =	ssyncset.done $0x0  }
0x8f: {  	[sflag:s3] =	ssyncadd.s32 $0xFFFFE000  }
0x90: {  	[spmem:s1] =	stream.indirect.scatter.add.f32 [tilespmem:s28], [sflag:$0x3], $0x80, s6, s0, $0xb8;
	[tilespmem:$0x1E400] =	vst v63  }
0x91: {  	_ =	swait.ge [sflag:s21], $0x4000  }
0x92: {  	[sflag:s21] =	ssyncset.done $0x0  }
0x93: {  	s15 =	simm.s32 $0x0;
	s12 =	rddreg [dreg:$0x9];
	[sflag:s21] =	ssyncadd.s32 $0xFFFFC000  }
0x94: {  	[tilespmem:s22], [sflag:$0x3] =	stream.linear.gather [hbm4b:s12+s15], $0x2800, $0x38;
	[tilespmem:$0x1E400] =	vst v63  }
0x95: {  	_ =	swait.ge [sflag:s21], $0x2800  }
0x96: {  	[sflag:s21] =	ssyncset.done $0x0  }
0x97: {  	[sflag:s21] =	ssyncadd.s32 $0xFFFFD800  }
0x98: {  	[tilespmem:s20], [sflag:$0x1] =	stream.indirect.gather [hbm4b:s4+s23], $0x80, s22, s23, $0xb8;
	[tilespmem:$0x1E400] =	vst v63  }
0x99: {  	_ = 	snop  }
0x9a: {  	[tilespmem:s25], [sflag:$0x1] =	stream.indirect.gather [hbm4b:s4+s23], $0x80, s24, s23, $0xb8;
	[tilespmem:$0x1E400] =	vst v63  }
0x9b: {  	_ = 	snop  }
0x9c: {  	[tilespmem:s28], [sflag:$0x2] =	stream.indirect.gather [hbm4b:s4+s23], $0x80, s26, s23, $0xb8;
	[tilespmem:$0x1E400] =	vst v63  }
0x9d: {  	_ = 	snop  }
0x9e: {  	[tilespmem:s30], [sflag:$0x2] =	stream.indirect.gather [hbm4b:s4+s23], $0x80, s29, s23, $0xb8;
	[tilespmem:$0x1E400] =	vst v63  }
0x9f: {  	_ =	swait.ge [sflag:s31], $0x2000  }
0xa0: {  	[sflag:s31] =	ssyncset.done $0x0  }
0xa1: {  	[sflag:s31] =	ssyncadd.s32 $0xFFFFE000  }
0xa2: {  	_ =	swait.ge [sflag:s31], $0x2000  }
0xa3: {  	[sflag:s31] =	ssyncset.done $0x0  }
0xa4: {  	s14 =	simm.s32 $0x1BC80;
	[sflag:s31] =	ssyncadd.s32 $0xFFFFE000  }
0xa5: {  	[spmem:s1] =	stream.indirect.scatter.add.f32 [tilespmem:s20], [sflag:$0x3], $0x80, s14, s0, $0xb8;
	[tilespmem:$0x1E400] =	vst v63  }
0xa6: {  	_ =	swait.ge [sflag:s21], $0x4000  }
0xa7: {  	[sflag:s21] =	ssyncset.done $0x0  }
0xa8: {  	s15 =	simm.s32 $0x1BE00;
	[sflag:s21] =	ssyncadd.s32 $0xFFFFC000  }
0xa9: {  	[tilespmem:s20], [sflag:$0x1] =	stream.indirect.gather [hbm4b:s4+s23], $0x80, s15, s23, $0xb8;
	[tilespmem:$0x1E400] =	vst v63  }
0xaa: {  	s12 =	simm.s32 $0x1BE40  }
0xab: {  	[tilespmem:s25], [sflag:$0x1] =	stream.indirect.gather [hbm4b:s4+s23], $0x80, s12, s23, $0xb8;
	[tilespmem:$0x1E400] =	vst v63  }
0xac: {  	_ =	swait.ge [sflag:s3], $0x2000  }
0xad: {  	[sflag:s3] =	ssyncset.done $0x0  }
0xae: {  	[sflag:s3] =	ssyncadd.s32 $0xFFFFE000  }
0xaf: {  	_ =	swait.ge [sflag:s3], $0x2000  }
0xb0: {  	[sflag:s3] =	ssyncset.done $0x0  }
0xb1: {  	s14 =	simm.s32 $0x1BD80;
	[sflag:s3] =	ssyncadd.s32 $0xFFFFE000  }
0xb2: {  	[spmem:s1] =	stream.indirect.scatter.add.f32 [tilespmem:s28], [sflag:$0x3], $0x80, s14, s0, $0xb8;
	[tilespmem:$0x1E400] =	vst v63  }
0xb3: {  	_ =	swait.ge [sflag:s21], $0x4000  }
0xb4: {  	s2 =	simm.s32 $0x1BF40;
	[sflag:s21] =	ssyncset.done $0x0  }
0xb5: {  	s15 =	simm.s32 $0x1BF00;
	s14 =	simm.s32 $0x800;
	[sflag:s21] =	ssyncadd.s32 $0xFFFFC000  }
0xb6: {  	[tilespmem:s28], [sflag:$0x2] =	stream.indirect.gather [hbm4b:s4+s23], $0x80, s15, s23, $0xb8;
	[tilespmem:$0x1E400] =	vst v63  }
.LBB2_7:
0xb7: {  	[tilespmem:s30], [sflag:$0x2] =	stream.indirect.gather [hbm4b:s4+s23], $0x80, s2, s23, $0xb8;
	[tilespmem:$0x1E400] =	vst v63  }
0xb8: {  	s2 =	smov.u32 s14  }
0xb9: {  	p1 =	seq.s32 s14, $0x9000;
	s14 =	sadd.s32 $0x800, s14;
	_ =	swait.ge [sflag:s31], $0x2000  }
0xba: {  	[sflag:s31] =	ssyncset.done $0x0  }
0xbb: {  	[sflag:s31] =	ssyncadd.s32 $0xFFFFE000  }
0xbc: {  	_ =	swait.ge [sflag:s31], $0x2000  }
0xbd: {  	s2 =	sshra.s32 s2, $0x2;
	[sflag:s31] =	ssyncset.done $0x0  }
0xbe: {  	s12 =	sadd.s32 $0x1BC80, s2;
	[sflag:s31] =	ssyncadd.s32 $0xFFFFE000  }
0xbf: {  	[spmem:s1] =	stream.indirect.scatter.add.f32 [tilespmem:s20], [sflag:$0x3], $0x80, s12, s0, $0xb8;
	[tilespmem:$0x1E400] =	vst v63  }
0xc0: {  	_ =	swait.ge [sflag:s21], $0x4000  }
0xc1: {  	[sflag:s21] =	ssyncset.done $0x0  }
0xc2: {  	s12 =	sadd.s32 $0x1BE00, s2;
	[sflag:s21] =	ssyncadd.s32 $0xFFFFC000  }
0xc3: {  	[tilespmem:s20], [sflag:$0x1] =	stream.indirect.gather [hbm4b:s4+s23], $0x80, s12, s23, $0xb8;
	[tilespmem:$0x1E400] =	vst v63  }
0xc4: {  	s12 =	sadd.s32 $0x1BE40, s2  }
0xc5: {  	[tilespmem:s25], [sflag:$0x1] =	stream.indirect.gather [hbm4b:s4+s23], $0x80, s12, s23, $0xb8;
	[tilespmem:$0x1E400] =	vst v63  }
0xc6: {  	_ =	swait.ge [sflag:s3], $0x2000  }
0xc7: {  	[sflag:s3] =	ssyncset.done $0x0  }
0xc8: {  	[sflag:s3] =	ssyncadd.s32 $0xFFFFE000  }
0xc9: {  	_ =	swait.ge [sflag:s3], $0x2000  }
0xca: {  	[sflag:s3] =	ssyncset.done $0x0  }
0xcb: {  	s12 =	sadd.s32 $0x1BD80, s2;
	[sflag:s3] =	ssyncadd.s32 $0xFFFFE000  }
0xcc: {  	[spmem:s1] =	stream.indirect.scatter.add.f32 [tilespmem:s28], [sflag:$0x3], $0x80, s12, s0, $0xb8;
	[tilespmem:$0x1E400] =	vst v63  }
.Ltmp3:
0xcd: {  	_ =	swait.ge [sflag:s21], $0x4000;
	(pc) =	sbr.rel @!p1 .LBB2_7-.Ltmp3, $4  }
0xce: {  	[sflag:s21] =	ssyncset.done $0x0  }
0xcf: {  	s12 =	sadd.s32 $0x1BF00, s2;
	[sflag:s21] =	ssyncadd.s32 $0xFFFFC000  }
0xd0: {  	[tilespmem:s28], [sflag:$0x2] =	stream.indirect.gather [hbm4b:s4+s23], $0x80, s12, s23, $0xb8;
	[tilespmem:$0x1E400] =	vst v63  }
0xd1: {  	s2 =	sadd.s32 $0x1BF40, s2  }
.Ltmp4:
0xd2: {  	(pc) =	sbr.rel .LBB2_14-.Ltmp4, $3  }
0xd3: {  	_ =	sdelay $0x1  }
0xd4: {  	[tilespmem:s30], [sflag:$0x2] =	stream.indirect.gather [hbm4b:s4+s23], $0x80, s2, s23, $0xb8;
	[tilespmem:$0x1E400] =	vst v63  }
0xd5: {  	s12 =	rddreg [dreg:$0x4]  }
.LBB2_9:
0xd6: {  	s12 =	rddreg [dreg:$0x6]  }
0xd7: {  	[tilespmem:s22], [sflag:$0x3] =	stream.linear.gather [hbm4b:s12+s2], $0x2800, $0x38;
	[tilespmem:$0x1E400] =	vst v63  }
0xd8: {  	_ =	swait.ge [sflag:s21], $0x2800  }
0xd9: {  	[sflag:s21] =	ssyncset.done $0x0  }
0xda: {  	[sflag:s21] =	ssyncadd.s32 $0xFFFFD800  }
0xdb: {  	[tilespmem:s20], [sflag:$0x1] =	stream.indirect.gather [hbm4b:s4+s23], $0x80, s22, s23, $0xb8;
	[tilespmem:$0x1E400] =	vst v63  }
0xdc: {  	_ = 	snop  }
0xdd: {  	[tilespmem:s25], [sflag:$0x1] =	stream.indirect.gather [hbm4b:s4+s23], $0x80, s24, s23, $0xb8;
	[tilespmem:$0x1E400] =	vst v63  }
0xde: {  	_ = 	snop  }
0xdf: {  	[tilespmem:s28], [sflag:$0x2] =	stream.indirect.gather [hbm4b:s4+s23], $0x80, s26, s23, $0xb8;
	[tilespmem:$0x1E400] =	vst v63  }
0xe0: {  	_ = 	snop  }
0xe1: {  	[tilespmem:s30], [sflag:$0x2] =	stream.indirect.gather [hbm4b:s4+s23], $0x80, s29, s23, $0xb8;
	[tilespmem:$0x1E400] =	vst v63  }
0xe2: {  	_ =	swait.ge [sflag:s31], $0x2000  }
0xe3: {  	[sflag:s31] =	ssyncset.done $0x0  }
0xe4: {  	[sflag:s31] =	ssyncadd.s32 $0xFFFFE000  }
0xe5: {  	_ =	swait.ge [sflag:s31], $0x2000  }
0xe6: {  	[sflag:s31] =	ssyncset.done $0x0  }
0xe7: {  	s14 =	simm.s32 $0x1BC80;
	[sflag:s31] =	ssyncadd.s32 $0xFFFFE000  }
0xe8: {  	[spmem:s1] =	stream.indirect.scatter.add.f32 [tilespmem:s20], [sflag:$0x3], $0x80, s14, s0, $0xb8;
	[tilespmem:$0x1E400] =	vst v63  }
0xe9: {  	_ =	swait.ge [sflag:s21], $0x4000  }
0xea: {  	[sflag:s21] =	ssyncset.done $0x0  }
0xeb: {  	s15 =	simm.s32 $0x1BE00;
	[sflag:s21] =	ssyncadd.s32 $0xFFFFC000  }
0xec: {  	[tilespmem:s20], [sflag:$0x1] =	stream.indirect.gather [hbm4b:s4+s23], $0x80, s15, s23, $0xb8;
	[tilespmem:$0x1E400] =	vst v63  }
0xed: {  	s12 =	simm.s32 $0x1BE40  }
0xee: {  	[tilespmem:s25], [sflag:$0x1] =	stream.indirect.gather [hbm4b:s4+s23], $0x80, s12, s23, $0xb8;
	[tilespmem:$0x1E400] =	vst v63  }
0xef: {  	_ =	swait.ge [sflag:s3], $0x2000  }
0xf0: {  	[sflag:s3] =	ssyncset.done $0x0  }
0xf1: {  	[sflag:s3] =	ssyncadd.s32 $0xFFFFE000  }
0xf2: {  	_ =	swait.ge [sflag:s3], $0x2000  }
0xf3: {  	[sflag:s3] =	ssyncset.done $0x0  }
0xf4: {  	s14 =	simm.s32 $0x1BD80;
	[sflag:s3] =	ssyncadd.s32 $0xFFFFE000  }
0xf5: {  	[spmem:s1] =	stream.indirect.scatter.add.f32 [tilespmem:s28], [sflag:$0x3], $0x80, s14, s0, $0xb8;
	[tilespmem:$0x1E400] =	vst v63  }
0xf6: {  	_ =	swait.ge [sflag:s21], $0x4000  }
0xf7: {  	s2 =	simm.s32 $0x1BF40;
	[sflag:s21] =	ssyncset.done $0x0  }
0xf8: {  	s15 =	simm.s32 $0x1BF00;
	s14 =	simm.s32 $0x800;
	[sflag:s21] =	ssyncadd.s32 $0xFFFFC000  }
0xf9: {  	[tilespmem:s28], [sflag:$0x2] =	stream.indirect.gather [hbm4b:s4+s23], $0x80, s15, s23, $0xb8;
	[tilespmem:$0x1E400] =	vst v63  }
.LBB2_10:
0xfa: {  	[tilespmem:s30], [sflag:$0x2] =	stream.indirect.gather [hbm4b:s4+s23], $0x80, s2, s23, $0xb8;
	[tilespmem:$0x1E400] =	vst v63  }
0xfb: {  	s2 =	smov.u32 s14  }
0xfc: {  	p1 =	sne.s32 s14, $0x9000;
	s14 =	sadd.s32 $0x800, s14;
	_ =	swait.ge [sflag:s31], $0x2000  }
0xfd: {  	[sflag:s31] =	ssyncset.done $0x0  }
0xfe: {  	[sflag:s31] =	ssyncadd.s32 $0xFFFFE000  }
0xff: {  	_ =	swait.ge [sflag:s31], $0x2000  }
0x100: {  	s2 =	sshra.s32 s2, $0x2;
	[sflag:s31] =	ssyncset.done $0x0  }
0x101: {  	s12 =	sadd.s32 $0x1BC80, s2;
	[sflag:s31] =	ssyncadd.s32 $0xFFFFE000  }
0x102: {  	[spmem:s1] =	stream.indirect.scatter.add.f32 [tilespmem:s20], [sflag:$0x3], $0x80, s12, s0, $0xb8;
	[tilespmem:$0x1E400] =	vst v63  }
0x103: {  	_ =	swait.ge [sflag:s21], $0x4000  }
0x104: {  	[sflag:s21] =	ssyncset.done $0x0  }
0x105: {  	s12 =	sadd.s32 $0x1BE00, s2;
	[sflag:s21] =	ssyncadd.s32 $0xFFFFC000  }
0x106: {  	[tilespmem:s20], [sflag:$0x1] =	stream.indirect.gather [hbm4b:s4+s23], $0x80, s12, s23, $0xb8;
	[tilespmem:$0x1E400] =	vst v63  }
0x107: {  	s12 =	sadd.s32 $0x1BE40, s2  }
0x108: {  	[tilespmem:s25], [sflag:$0x1] =	stream.indirect.gather [hbm4b:s4+s23], $0x80, s12, s23, $0xb8;
	[tilespmem:$0x1E400] =	vst v63  }
0x109: {  	_ =	swait.ge [sflag:s3], $0x2000  }
0x10a: {  	[sflag:s3] =	ssyncset.done $0x0  }
0x10b: {  	[sflag:s3] =	ssyncadd.s32 $0xFFFFE000  }
0x10c: {  	_ =	swait.ge [sflag:s3], $0x2000  }
0x10d: {  	[sflag:s3] =	ssyncset.done $0x0  }
0x10e: {  	s12 =	sadd.s32 $0x1BD80, s2;
	[sflag:s3] =	ssyncadd.s32 $0xFFFFE000  }
0x10f: {  	[spmem:s1] =	stream.indirect.scatter.add.f32 [tilespmem:s28], [sflag:$0x3], $0x80, s12, s0, $0xb8;
	[tilespmem:$0x1E400] =	vst v63  }
.Ltmp5:
0x110: {  	_ =	swait.ge [sflag:s21], $0x4000;
	(pc) =	sbr.rel @p1 .LBB2_10-.Ltmp5, $4  }
0x111: {  	[sflag:s21] =	ssyncset.done $0x0  }
0x112: {  	s12 =	sadd.s32 $0x1BF00, s2;
	[sflag:s21] =	ssyncadd.s32 $0xFFFFC000  }
0x113: {  	[tilespmem:s28], [sflag:$0x2] =	stream.indirect.gather [hbm4b:s4+s23], $0x80, s12, s23, $0xb8;
	[tilespmem:$0x1E400] =	vst v63  }
0x114: {  	s2 =	sadd.s32 $0x1BF40, s2  }
0x115: {  	[tilespmem:s30], [sflag:$0x2] =	stream.indirect.gather [hbm4b:s4+s23], $0x80, s2, s23, $0xb8;
	[tilespmem:$0x1E400] =	vst v63  }
0x116: {  	_ =	swait.ge [sflag:s31], $0x2000  }
0x117: {  	[sflag:s31] =	ssyncset.done $0x0  }
0x118: {  	[sflag:s31] =	ssyncadd.s32 $0xFFFFE000  }
0x119: {  	_ =	swait.ge [sflag:s31], $0x2000  }
0x11a: {  	[sflag:s31] =	ssyncset.done $0x0  }
0x11b: {  	[sflag:s31] =	ssyncadd.s32 $0xFFFFE000  }
0x11c: {  	[spmem:s1] =	stream.indirect.scatter.add.f32 [tilespmem:s20], [sflag:$0x3], $0x80, s5, s0, $0xb8;
	[tilespmem:$0x1E400] =	vst v63  }
0x11d: {  	_ =	swait.ge [sflag:s21], $0x4000  }
0x11e: {  	[sflag:s21] =	ssyncset.done $0x0  }
0x11f: {  	[sflag:s21] =	ssyncadd.s32 $0xFFFFC000  }
0x120: {  	_ =	swait.ge [sflag:s3], $0x2000  }
0x121: {  	[sflag:s3] =	ssyncset.done $0x0  }
0x122: {  	[sflag:s3] =	ssyncadd.s32 $0xFFFFE000  }
0x123: {  	_ =	swait.ge [sflag:s3], $0x2000  }
0x124: {  	[sflag:s3] =	ssyncset.done $0x0  }
0x125: {  	[sflag:s3] =	ssyncadd.s32 $0xFFFFE000  }
0x126: {  	[spmem:s1] =	stream.indirect.scatter.add.f32 [tilespmem:s28], [sflag:$0x3], $0x80, s6, s0, $0xb8;
	[tilespmem:$0x1E400] =	vst v63  }
0x127: {  	_ =	swait.ge [sflag:s21], $0x4000  }
0x128: {  	[sflag:s21] =	ssyncset.done $0x0  }
0x129: {  	s15 =	simm.s32 $0x0;
	s12 =	rddreg [dreg:$0x7];
	[sflag:s21] =	ssyncadd.s32 $0xFFFFC000  }
0x12a: {  	[tilespmem:s22], [sflag:$0x3] =	stream.linear.gather [hbm4b:s12+s15], $0x2800, $0x38;
	[tilespmem:$0x1E400] =	vst v63  }
0x12b: {  	_ =	swait.ge [sflag:s21], $0x2800  }
0x12c: {  	[sflag:s21] =	ssyncset.done $0x0  }
0x12d: {  	[sflag:s21] =	ssyncadd.s32 $0xFFFFD800  }
0x12e: {  	[tilespmem:s20], [sflag:$0x1] =	stream.indirect.gather [hbm4b:s4+s23], $0x80, s22, s23, $0xb8;
	[tilespmem:$0x1E400] =	vst v63  }
0x12f: {  	_ = 	snop  }
0x130: {  	[tilespmem:s25], [sflag:$0x1] =	stream.indirect.gather [hbm4b:s4+s23], $0x80, s24, s23, $0xb8;
	[tilespmem:$0x1E400] =	vst v63  }
0x131: {  	_ = 	snop  }
0x132: {  	[tilespmem:s28], [sflag:$0x2] =	stream.indirect.gather [hbm4b:s4+s23], $0x80, s26, s23, $0xb8;
	[tilespmem:$0x1E400] =	vst v63  }
0x133: {  	_ = 	snop  }
0x134: {  	[tilespmem:s30], [sflag:$0x2] =	stream.indirect.gather [hbm4b:s4+s23], $0x80, s29, s23, $0xb8;
	[tilespmem:$0x1E400] =	vst v63  }
0x135: {  	_ =	swait.ge [sflag:s31], $0x2000  }
0x136: {  	[sflag:s31] =	ssyncset.done $0x0  }
0x137: {  	[sflag:s31] =	ssyncadd.s32 $0xFFFFE000  }
0x138: {  	_ =	swait.ge [sflag:s31], $0x2000  }
0x139: {  	[sflag:s31] =	ssyncset.done $0x0  }
0x13a: {  	s14 =	simm.s32 $0x1BC80;
	[sflag:s31] =	ssyncadd.s32 $0xFFFFE000  }
0x13b: {  	[spmem:s1] =	stream.indirect.scatter.add.f32 [tilespmem:s20], [sflag:$0x3], $0x80, s14, s0, $0xb8;
	[tilespmem:$0x1E400] =	vst v63  }
0x13c: {  	_ =	swait.ge [sflag:s21], $0x4000  }
0x13d: {  	[sflag:s21] =	ssyncset.done $0x0  }
0x13e: {  	s15 =	simm.s32 $0x1BE00;
	[sflag:s21] =	ssyncadd.s32 $0xFFFFC000  }
0x13f: {  	[tilespmem:s20], [sflag:$0x1] =	stream.indirect.gather [hbm4b:s4+s23], $0x80, s15, s23, $0xb8;
	[tilespmem:$0x1E400] =	vst v63  }
0x140: {  	s12 =	simm.s32 $0x1BE40  }
0x141: {  	[tilespmem:s25], [sflag:$0x1] =	stream.indirect.gather [hbm4b:s4+s23], $0x80, s12, s23, $0xb8;
	[tilespmem:$0x1E400] =	vst v63  }
0x142: {  	_ =	swait.ge [sflag:s3], $0x2000  }
0x143: {  	[sflag:s3] =	ssyncset.done $0x0  }
0x144: {  	[sflag:s3] =	ssyncadd.s32 $0xFFFFE000  }
0x145: {  	_ =	swait.ge [sflag:s3], $0x2000  }
0x146: {  	[sflag:s3] =	ssyncset.done $0x0  }
0x147: {  	s14 =	simm.s32 $0x1BD80;
	[sflag:s3] =	ssyncadd.s32 $0xFFFFE000  }
0x148: {  	[spmem:s1] =	stream.indirect.scatter.add.f32 [tilespmem:s28], [sflag:$0x3], $0x80, s14, s0, $0xb8;
	[tilespmem:$0x1E400] =	vst v63  }
0x149: {  	_ =	swait.ge [sflag:s21], $0x4000  }
0x14a: {  	s2 =	simm.s32 $0x1BF40;
	[sflag:s21] =	ssyncset.done $0x0  }
0x14b: {  	s15 =	simm.s32 $0x1BF00;
	s14 =	simm.s32 $0x800;
	[sflag:s21] =	ssyncadd.s32 $0xFFFFC000  }
0x14c: {  	[tilespmem:s28], [sflag:$0x2] =	stream.indirect.gather [hbm4b:s4+s23], $0x80, s15, s23, $0xb8;
	[tilespmem:$0x1E400] =	vst v63  }
.LBB2_12:
0x14d: {  	[tilespmem:s30], [sflag:$0x2] =	stream.indirect.gather [hbm4b:s4+s23], $0x80, s2, s23, $0xb8;
	[tilespmem:$0x1E400] =	vst v63  }
0x14e: {  	s2 =	smov.u32 s14  }
0x14f: {  	p1 =	sne.s32 s14, $0x9000;
	s14 =	sadd.s32 $0x800, s14;
	_ =	swait.ge [sflag:s31], $0x2000  }
0x150: {  	[sflag:s31] =	ssyncset.done $0x0  }
0x151: {  	[sflag:s31] =	ssyncadd.s32 $0xFFFFE000  }
0x152: {  	_ =	swait.ge [sflag:s31], $0x2000  }
0x153: {  	s2 =	sshra.s32 s2, $0x2;
	[sflag:s31] =	ssyncset.done $0x0  }
0x154: {  	s12 =	sadd.s32 $0x1BC80, s2;
	[sflag:s31] =	ssyncadd.s32 $0xFFFFE000  }
0x155: {  	[spmem:s1] =	stream.indirect.scatter.add.f32 [tilespmem:s20], [sflag:$0x3], $0x80, s12, s0, $0xb8;
	[tilespmem:$0x1E400] =	vst v63  }
0x156: {  	_ =	swait.ge [sflag:s21], $0x4000  }
0x157: {  	[sflag:s21] =	ssyncset.done $0x0  }
0x158: {  	s12 =	sadd.s32 $0x1BE00, s2;
	[sflag:s21] =	ssyncadd.s32 $0xFFFFC000  }
0x159: {  	[tilespmem:s20], [sflag:$0x1] =	stream.indirect.gather [hbm4b:s4+s23], $0x80, s12, s23, $0xb8;
	[tilespmem:$0x1E400] =	vst v63  }
0x15a: {  	s12 =	sadd.s32 $0x1BE40, s2  }
0x15b: {  	[tilespmem:s25], [sflag:$0x1] =	stream.indirect.gather [hbm4b:s4+s23], $0x80, s12, s23, $0xb8;
	[tilespmem:$0x1E400] =	vst v63  }
0x15c: {  	_ =	swait.ge [sflag:s3], $0x2000  }
0x15d: {  	[sflag:s3] =	ssyncset.done $0x0  }
0x15e: {  	[sflag:s3] =	ssyncadd.s32 $0xFFFFE000  }
0x15f: {  	_ =	swait.ge [sflag:s3], $0x2000  }
0x160: {  	[sflag:s3] =	ssyncset.done $0x0  }
0x161: {  	s12 =	sadd.s32 $0x1BD80, s2;
	[sflag:s3] =	ssyncadd.s32 $0xFFFFE000  }
0x162: {  	[spmem:s1] =	stream.indirect.scatter.add.f32 [tilespmem:s28], [sflag:$0x3], $0x80, s12, s0, $0xb8;
	[tilespmem:$0x1E400] =	vst v63  }
.Ltmp6:
0x163: {  	_ =	swait.ge [sflag:s21], $0x4000;
	(pc) =	sbr.rel @p1 .LBB2_12-.Ltmp6, $4  }
0x164: {  	[sflag:s21] =	ssyncset.done $0x0  }
0x165: {  	s12 =	sadd.s32 $0x1BF00, s2;
	[sflag:s21] =	ssyncadd.s32 $0xFFFFC000  }
0x166: {  	[tilespmem:s28], [sflag:$0x2] =	stream.indirect.gather [hbm4b:s4+s23], $0x80, s12, s23, $0xb8;
	[tilespmem:$0x1E400] =	vst v63  }
0x167: {  	s2 =	sadd.s32 $0x1BF40, s2  }
0x168: {  	[tilespmem:s30], [sflag:$0x2] =	stream.indirect.gather [hbm4b:s4+s23], $0x80, s2, s23, $0xb8;
	[tilespmem:$0x1E400] =	vst v63  }
0x169: {  	s12 =	rddreg [dreg:$0x5]  }
.LBB2_14:
0x16a: {  	_ =	swait.ge [sflag:s31], $0x2000  }
0x16b: {  	[sflag:s31] =	ssyncset.done $0x0  }
0x16c: {  	[sflag:s31] =	ssyncadd.s32 $0xFFFFE000  }
0x16d: {  	_ =	swait.ge [sflag:s31], $0x2000  }
0x16e: {  	[sflag:s31] =	ssyncset.done $0x0  }
0x16f: {  	[sflag:s31] =	ssyncadd.s32 $0xFFFFE000  }
0x170: {  	[spmem:s1] =	stream.indirect.scatter.add.f32 [tilespmem:s20], [sflag:$0x3], $0x80, s5, s0, $0xb8;
	[tilespmem:$0x1E400] =	vst v63  }
0x171: {  	_ =	swait.ge [sflag:s21], $0x4000  }
0x172: {  	[sflag:s21] =	ssyncset.done $0x0  }
0x173: {  	[sflag:s21] =	ssyncadd.s32 $0xFFFFC000  }
0x174: {  	_ =	swait.ge [sflag:s3], $0x2000  }
0x175: {  	[sflag:s3] =	ssyncset.done $0x0  }
0x176: {  	[sflag:s3] =	ssyncadd.s32 $0xFFFFE000  }
0x177: {  	_ =	swait.ge [sflag:s3], $0x2000  }
0x178: {  	[sflag:s3] =	ssyncset.done $0x0  }
0x179: {  	[sflag:s3] =	ssyncadd.s32 $0xFFFFE000  }
0x17a: {  	[spmem:s1] =	stream.indirect.scatter.add.f32 [tilespmem:s28], [sflag:$0x3], $0x80, s6, s0, $0xb8;
	[tilespmem:$0x1E400] =	vst v63  }
0x17b: {  	_ =	swait.ge [sflag:s21], $0x4000  }
0x17c: {  	s15 =	stileid.u32;
	[sflag:s21] =	ssyncset.done $0x0  }
0x17d: {  	s2 =	sadd.s32 s12, s13;
	s12 =	sshll.u32 s15, $0x6;
	[sflag:s21] =	ssyncadd.s32 $0xFFFFC000  }
0x17e: {  	s14 =	sshrl.u32 s7, $0x3;
	s15 =	sor.u32 $0x1C03, s12;
	[bflag:$0x0] =	sbarrier.arrive $0xFFFF  }
0x17f: {  	[hbm:s2], [sflag:s15] =	dma.local [spmem:s14], $0x2780  }
0x180: {  	_ =	swait.ge [sflag:s21], $0x2780  }
0x181: {  	[sflag:s21] =	ssyncset.done $0x0  }
0x182: {  	[sflag:s21] =	ssyncadd.s32 $0xFFFFD880  }
0x183: {  	s12 =	simm.s32 $0x0;
	s2 =	simm.s32 $0x200;
	[bflag:$0x0] =	sbarrier.arrive $0xFFFF  }
.LBB2_15:
0x184: {  	p1 =	sne.s32 s2, $0xFE00;
	[tilespmem:s12+$0x17C70] =	vst v0  }
0x185: {  	[tilespmem:s12+$0x17C00] =	vst v0  }
0x186: {  	[tilespmem:s12+$0x17C10] =	vst v0  }
.Ltmp7:
0x187: {  	[tilespmem:s12+$0x17C20] =	vst v0;
	(pc) =	sbr.rel @p1 .LBB2_15-.Ltmp7, $4  }
0x188: {  	[tilespmem:s12+$0x17C30] =	vst v0  }
0x189: {  	[tilespmem:s12+$0x17C40] =	vst v0  }
0x18a: {  	[tilespmem:s12+$0x17C50] =	vst v0  }
0x18b: {  	[tilespmem:s12+$0x17C60] =	vst v0;
	s12 =	sshra.s32 s2, $0x2;
	s2 =	sadd.s32 $0x200, s2  }
0x18c: {  	[tilespmem:s12+$0x17C70] =	vst v0  }
0x18d: {  	[tilespmem:s12+$0x17C00] =	vst v0  }
0x18e: {  	[tilespmem:s12+$0x17C10] =	vst v0  }
0x18f: {  	[tilespmem:s12+$0x17C20] =	vst v0  }
0x190: {  	[tilespmem:s12+$0x17C30] =	vst v0  }
0x191: {  	[tilespmem:s12+$0x17C40] =	vst v0  }
0x192: {  	[tilespmem:s12+$0x17C50] =	vst v0  }
0x193: {  	[tilespmem:s12+$0x17C60] =	vst v0;
	s12 =	simm.s32 $0x0;
	s2 =	simm.s32 $0x200  }
.LBB2_17:
0x194: {  	p1 =	sne.s32 s2, $0xFE00;
	[tilespmem:s12+$0x13C70] =	vst v1  }
0x195: {  	[tilespmem:s12+$0x13C00] =	vst v1  }
0x196: {  	[tilespmem:s12+$0x13C10] =	vst v1  }
.Ltmp8:
0x197: {  	[tilespmem:s12+$0x13C20] =	vst v1;
	(pc) =	sbr.rel @p1 .LBB2_17-.Ltmp8, $4  }
0x198: {  	[tilespmem:s12+$0x13C30] =	vst v1  }
0x199: {  	[tilespmem:s12+$0x13C40] =	vst v1  }
0x19a: {  	[tilespmem:s12+$0x13C50] =	vst v1  }
0x19b: {  	[tilespmem:s12+$0x13C60] =	vst v1;
	s12 =	sshra.s32 s2, $0x2;
	s2 =	sadd.s32 $0x200, s2  }
0x19c: {  	[tilespmem:s12+$0x13C70] =	vst v1  }
0x19d: {  	[tilespmem:s12+$0x13C00] =	vst v1  }
0x19e: {  	[tilespmem:s12+$0x13C10] =	vst v1  }
0x19f: {  	[tilespmem:s12+$0x13C20] =	vst v1  }
0x1a0: {  	[tilespmem:s12+$0x13C30] =	vst v1  }
0x1a1: {  	[tilespmem:s12+$0x13C40] =	vst v1  }
0x1a2: {  	[tilespmem:s12+$0x13C50] =	vst v1  }
0x1a3: {  	[tilespmem:s12+$0x13C60] =	vst v1  }
0x1a4: {  	[spmem:s7] =	stream.linear.scatter [tilespmem:s28], [sflag:$0x3], $0x4000, $0x38;
	[tilespmem:$0x1E400] =	vst v63  }
0x1a5: {  	_ =	swait.ge [sflag:s21], $0x4000  }
0x1a6: {  	[sflag:s21] =	ssyncset.done $0x0  }
0x1a7: {  	[sflag:s21] =	ssyncadd.s32 $0xFFFFC000  }
0x1a8: {  	[spmem:s8] =	stream.linear.scatter [tilespmem:s28], [sflag:$0x3], $0x4000, $0x38;
	[tilespmem:$0x1E400] =	vst v63  }
0x1a9: {  	_ =	swait.ge [sflag:s21], $0x4000  }
0x1aa: {  	[sflag:s21] =	ssyncset.done $0x0  }
0x1ab: {  	[sflag:s21] =	ssyncadd.s32 $0xFFFFC000  }
0x1ac: {  	[spmem:s9] =	stream.linear.scatter [tilespmem:s28], [sflag:$0x3], $0x4000, $0x38;
	[tilespmem:$0x1E400] =	vst v63  }
0x1ad: {  	_ =	swait.ge [sflag:s21], $0x4000  }
0x1ae: {  	[sflag:s21] =	ssyncset.done $0x0  }
0x1af: {  	[sflag:s21] =	ssyncadd.s32 $0xFFFFC000  }
0x1b0: {  	[spmem:s10] =	stream.linear.scatter [tilespmem:s28], [sflag:$0x3], $0x4000, $0x38;
	[tilespmem:$0x1E400] =	vst v63  }
0x1b1: {  	_ =	swait.ge [sflag:s21], $0x4000  }
0x1b2: {  	[sflag:s21] =	ssyncset.done $0x0  }
0x1b3: {  	[sflag:s21] =	ssyncadd.s32 $0xFFFFC000  }
0x1b4: {  	[spmem:s11] =	stream.linear.scatter [tilespmem:s28], [sflag:$0x3], $0x3C00, $0x38;
	[tilespmem:$0x1E400] =	vst v63  }
0x1b5: {  	_ =	swait.ge [sflag:s21], $0x3C00  }
0x1b6: {  	[sflag:s21] =	ssyncset.done $0x0  }
0x1b7: {  	[sflag:s21] =	ssyncadd.s32 $0xFFFFC400  }
0x1b8: {  	s2 =	simm.s32 $0x0;
	[bflag:$0x0] =	sbarrier.arrive $0xFFFF  }
0x1b9: {  	[tilespmem:s22], [sflag:$0x3] =	stream.linear.gather [hbm4b:s17+s2], $0x1400, $0x38;
	[tilespmem:$0x1E400] =	vst v63  }
0x1ba: {  	_ =	swait.ge [sflag:s21], $0x1400  }
0x1bb: {  	[sflag:s21] =	ssyncset.done $0x0  }
0x1bc: {  	[sflag:s21] =	ssyncadd.s32 $0xFFFFEC00  }
0x1bd: {  	[spmem:s1] =	stream.indirect.scatter.add.f32 [tilespmem:s20], [sflag:$0x1], $0x80, s22, s0, $0xb8;
	[tilespmem:$0x1E400] =	vst v63  }
0x1be: {  	s12 =	simm.s32 $0x1BC80  }
0x1bf: {  	[spmem:s1] =	stream.indirect.scatter.add.f32 [tilespmem:s20], [sflag:$0x1], $0x80, s12, s0, $0xb8;
	[tilespmem:$0x1E400] =	vst v63  }
0x1c0: {  	_ = 	snop  }
0x1c1: {  	[spmem:s1] =	stream.indirect.scatter.add.f32 [tilespmem:s20], [sflag:$0x1], $0x80, s26, s0, $0xb8;
	[tilespmem:$0x1E400] =	vst v63  }
0x1c2: {  	s12 =	simm.s32 $0x1BD80  }
0x1c3: {  	[spmem:s1] =	stream.indirect.scatter.add.f32 [tilespmem:s20], [sflag:$0x1], $0x80, s12, s0, $0xb8;
	[tilespmem:$0x1E400] =	vst v63  }
0x1c4: {  	s12 =	simm.s32 $0x1BE00  }
0x1c5: {  	[spmem:s1] =	stream.indirect.scatter.add.f32 [tilespmem:s20], [sflag:$0x1], $0x80, s12, s0, $0xb8;
	[tilespmem:$0x1E400] =	vst v63  }
0x1c6: {  	s12 =	simm.s32 $0x1BE80  }
0x1c7: {  	[spmem:s1] =	stream.indirect.scatter.add.f32 [tilespmem:s20], [sflag:$0x1], $0x80, s12, s0, $0xb8;
	[tilespmem:$0x1E400] =	vst v63  }
0x1c8: {  	s12 =	simm.s32 $0x1BF00  }
0x1c9: {  	[spmem:s1] =	stream.indirect.scatter.add.f32 [tilespmem:s20], [sflag:$0x1], $0x80, s12, s0, $0xb8;
	[tilespmem:$0x1E400] =	vst v63  }
0x1ca: {  	s12 =	simm.s32 $0x1BF80  }
0x1cb: {  	[spmem:s1] =	stream.indirect.scatter.add.f32 [tilespmem:s20], [sflag:$0x1], $0x80, s12, s0, $0xb8;
	[tilespmem:$0x1E400] =	vst v63  }
0x1cc: {  	s12 =	simm.s32 $0x1C000  }
0x1cd: {  	[spmem:s1] =	stream.indirect.scatter.add.f32 [tilespmem:s20], [sflag:$0x1], $0x80, s12, s0, $0xb8;
	[tilespmem:$0x1E400] =	vst v63  }
0x1ce: {  	s12 =	simm.s32 $0x1C080  }
0x1cf: {  	[spmem:s1] =	stream.indirect.scatter.add.f32 [tilespmem:s20], [sflag:$0x1], $0x80, s12, s0, $0xb8;
	[tilespmem:$0x1E400] =	vst v63  }
0x1d0: {  	s12 =	simm.s32 $0x1C100  }
0x1d1: {  	[spmem:s1] =	stream.indirect.scatter.add.f32 [tilespmem:s20], [sflag:$0x1], $0x80, s12, s0, $0xb8;
	[tilespmem:$0x1E400] =	vst v63  }
0x1d2: {  	s12 =	simm.s32 $0x1C180  }
0x1d3: {  	[spmem:s1] =	stream.indirect.scatter.add.f32 [tilespmem:s20], [sflag:$0x1], $0x80, s12, s0, $0xb8;
	[tilespmem:$0x1E400] =	vst v63  }
0x1d4: {  	s12 =	simm.s32 $0x1C200  }
0x1d5: {  	[spmem:s1] =	stream.indirect.scatter.add.f32 [tilespmem:s20], [sflag:$0x1], $0x80, s12, s0, $0xb8;
	[tilespmem:$0x1E400] =	vst v63  }
0x1d6: {  	s12 =	simm.s32 $0x1C280  }
0x1d7: {  	[spmem:s1] =	stream.indirect.scatter.add.f32 [tilespmem:s20], [sflag:$0x1], $0x80, s12, s0, $0xb8;
	[tilespmem:$0x1E400] =	vst v63  }
0x1d8: {  	s12 =	simm.s32 $0x1C300  }
0x1d9: {  	[spmem:s1] =	stream.indirect.scatter.add.f32 [tilespmem:s20], [sflag:$0x1], $0x80, s12, s0, $0xb8;
	[tilespmem:$0x1E400] =	vst v63  }
0x1da: {  	s12 =	simm.s32 $0x1C380  }
0x1db: {  	[spmem:s1] =	stream.indirect.scatter.add.f32 [tilespmem:s20], [sflag:$0x1], $0x80, s12, s0, $0xb8;
	[tilespmem:$0x1E400] =	vst v63  }
0x1dc: {  	s12 =	simm.s32 $0x1C400  }
0x1dd: {  	[spmem:s1] =	stream.indirect.scatter.add.f32 [tilespmem:s20], [sflag:$0x1], $0x80, s12, s0, $0xb8;
	[tilespmem:$0x1E400] =	vst v63  }
0x1de: {  	s12 =	simm.s32 $0x1C480  }
0x1df: {  	[spmem:s1] =	stream.indirect.scatter.add.f32 [tilespmem:s20], [sflag:$0x1], $0x80, s12, s0, $0xb8;
	[tilespmem:$0x1E400] =	vst v63  }
0x1e0: {  	s12 =	simm.s32 $0x1C500  }
0x1e1: {  	[spmem:s1] =	stream.indirect.scatter.add.f32 [tilespmem:s20], [sflag:$0x1], $0x80, s12, s0, $0xb8;
	[tilespmem:$0x1E400] =	vst v63  }
0x1e2: {  	s12 =	simm.s32 $0x1C580  }
0x1e3: {  	[spmem:s1] =	stream.indirect.scatter.add.f32 [tilespmem:s20], [sflag:$0x1], $0x80, s12, s0, $0xb8;
	[tilespmem:$0x1E400] =	vst v63  }
0x1e4: {  	s12 =	simm.s32 $0x1C600  }
0x1e5: {  	[spmem:s1] =	stream.indirect.scatter.add.f32 [tilespmem:s20], [sflag:$0x1], $0x80, s12, s0, $0xb8;
	[tilespmem:$0x1E400] =	vst v63  }
0x1e6: {  	s12 =	simm.s32 $0x1C680  }
0x1e7: {  	[spmem:s1] =	stream.indirect.scatter.add.f32 [tilespmem:s20], [sflag:$0x1], $0x80, s12, s0, $0xb8;
	[tilespmem:$0x1E400] =	vst v63  }
0x1e8: {  	s12 =	simm.s32 $0x1C700  }
0x1e9: {  	[spmem:s1] =	stream.indirect.scatter.add.f32 [tilespmem:s20], [sflag:$0x1], $0x80, s12, s0, $0xb8;
	[tilespmem:$0x1E400] =	vst v63  }
0x1ea: {  	s12 =	simm.s32 $0x1C780  }
0x1eb: {  	[spmem:s1] =	stream.indirect.scatter.add.f32 [tilespmem:s20], [sflag:$0x1], $0x80, s12, s0, $0xb8;
	[tilespmem:$0x1E400] =	vst v63  }
0x1ec: {  	s12 =	simm.s32 $0x1C800  }
0x1ed: {  	[spmem:s1] =	stream.indirect.scatter.add.f32 [tilespmem:s20], [sflag:$0x1], $0x80, s12, s0, $0xb8;
	[tilespmem:$0x1E400] =	vst v63  }
0x1ee: {  	s12 =	simm.s32 $0x1C880  }
0x1ef: {  	[spmem:s1] =	stream.indirect.scatter.add.f32 [tilespmem:s20], [sflag:$0x1], $0x80, s12, s0, $0xb8;
	[tilespmem:$0x1E400] =	vst v63  }
0x1f0: {  	s12 =	simm.s32 $0x1C900  }
0x1f1: {  	[spmem:s1] =	stream.indirect.scatter.add.f32 [tilespmem:s20], [sflag:$0x1], $0x80, s12, s0, $0xb8;
	[tilespmem:$0x1E400] =	vst v63  }
0x1f2: {  	s12 =	simm.s32 $0x1C980  }
0x1f3: {  	[spmem:s1] =	stream.indirect.scatter.add.f32 [tilespmem:s20], [sflag:$0x1], $0x80, s12, s0, $0xb8;
	[tilespmem:$0x1E400] =	vst v63  }
0x1f4: {  	s12 =	simm.s32 $0x1CA00  }
0x1f5: {  	[spmem:s1] =	stream.indirect.scatter.add.f32 [tilespmem:s20], [sflag:$0x1], $0x80, s12, s0, $0xb8;
	[tilespmem:$0x1E400] =	vst v63  }
0x1f6: {  	s12 =	simm.s32 $0x1CA80  }
0x1f7: {  	[spmem:s1] =	stream.indirect.scatter.add.f32 [tilespmem:s20], [sflag:$0x1], $0x80, s12, s0, $0xb8;
	[tilespmem:$0x1E400] =	vst v63  }
0x1f8: {  	s12 =	simm.s32 $0x1CB00  }
0x1f9: {  	[spmem:s1] =	stream.indirect.scatter.add.f32 [tilespmem:s20], [sflag:$0x1], $0x80, s12, s0, $0xb8;
	[tilespmem:$0x1E400] =	vst v63  }
0x1fa: {  	s12 =	simm.s32 $0x1CB80  }
0x1fb: {  	[spmem:s1] =	stream.indirect.scatter.add.f32 [tilespmem:s20], [sflag:$0x1], $0x80, s12, s0, $0xb8;
	[tilespmem:$0x1E400] =	vst v63  }
0x1fc: {  	s12 =	simm.s32 $0x1CC00  }
0x1fd: {  	[spmem:s1] =	stream.indirect.scatter.add.f32 [tilespmem:s20], [sflag:$0x1], $0x80, s12, s0, $0xb8;
	[tilespmem:$0x1E400] =	vst v63  }
0x1fe: {  	s12 =	simm.s32 $0x1CC80  }
0x1ff: {  	[spmem:s1] =	stream.indirect.scatter.add.f32 [tilespmem:s20], [sflag:$0x1], $0x80, s12, s0, $0xb8;
	[tilespmem:$0x1E400] =	vst v63  }
0x200: {  	s12 =	simm.s32 $0x1CD00  }
0x201: {  	[spmem:s1] =	stream.indirect.scatter.add.f32 [tilespmem:s20], [sflag:$0x1], $0x80, s12, s0, $0xb8;
	[tilespmem:$0x1E400] =	vst v63  }
0x202: {  	s12 =	simm.s32 $0x1CD80  }
0x203: {  	[spmem:s1] =	stream.indirect.scatter.add.f32 [tilespmem:s20], [sflag:$0x1], $0x80, s12, s0, $0xb8;
	[tilespmem:$0x1E400] =	vst v63  }
0x204: {  	s12 =	simm.s32 $0x1CE00  }
0x205: {  	[spmem:s1] =	stream.indirect.scatter.add.f32 [tilespmem:s20], [sflag:$0x1], $0x80, s12, s0, $0xb8;
	[tilespmem:$0x1E400] =	vst v63  }
0x206: {  	s12 =	simm.s32 $0x1CE80  }
0x207: {  	[spmem:s1] =	stream.indirect.scatter.add.f32 [tilespmem:s20], [sflag:$0x1], $0x80, s12, s0, $0xb8;
	[tilespmem:$0x1E400] =	vst v63  }
0x208: {  	s12 =	simm.s32 $0x1CF00  }
0x209: {  	[spmem:s1] =	stream.indirect.scatter.add.f32 [tilespmem:s20], [sflag:$0x1], $0x80, s12, s0, $0xb8;
	[tilespmem:$0x1E400] =	vst v63  }
0x20a: {  	s12 =	simm.s32 $0x1CF80  }
0x20b: {  	[spmem:s1] =	stream.indirect.scatter.add.f32 [tilespmem:s20], [sflag:$0x1], $0x80, s12, s0, $0xb8;
	[tilespmem:$0x1E400] =	vst v63  }
0x20c: {  	_ =	swait.ge [sflag:s31], $0x4000  }
0x20d: {  	s2 =	simm.s32 $0x27;
	[sflag:s31] =	ssyncset.done $0x0  }
.LBB2_19:
0x20e: {  	p1 =	sne.s32 s2, $0x1;
	s2 =	sadd.s32 $0xFFFFFFFF, s2;
	[sflag:s31] =	ssyncadd.s32 $0xFFFFC000  }
.Ltmp9:
0x20f: {  	(pc) =	sbr.rel @p1 .LBB2_19-.Ltmp9, $3  }
0x210: {  	_ =	sdelay $0x1  }
0x211: {  	_ =	swait.ge [sflag:s31], $0x4000  }
0x212: {  	[sflag:s31] =	ssyncset.done $0x0  }
0x213: {  	s16 =	sadd.s32 $0x1, s16  }
0x214: {  	[sflag:s31] =	ssyncadd.s32 $0xFFFFC000;
	p1 =	sne.s32 s16, s18  }
.Ltmp10:
0x215: {  	[bflag:$0x0] =	sbarrier.arrive $0xFFFF;
	(pc) =	sbr.rel @p1 .LBB2_1-.Ltmp10, $4  }
0x216: {  	[hbm:s19], [sflag:s15] =	dma.local [spmem:s14], $0x2780  }
0x217: {  	_ =	swait.ge [sflag:s21], $0x2780  }
0x218: {  	[sflag:s21] =	ssyncset.done $0x0  }
0x219: {  	[sflag:s21] =	ssyncadd.s32 $0xFFFFD880  }
0x21a: {  	_ =	sfence.sel $0x180000  }
0x21b: {  	[bflag:$0x0] =	sbarrier.arrive $0xFFFF  }
0x21c: {  	_ =	strace $0x90000047  }
0x21d: {  	s0 =	stileid.u32;
	[bflag:$0x2] =	sbarrier.arrive $0xFFFF  }
0x21e: {  	p0 =	sne.s32 s0, $0x0;
	s0 =	rddreg [dreg:$0x3]  }
0x21f: {  	s0 =	sadd.s32 @!p0 $0x100000, s0  }
0x220: {  	[sflag:s0] =	ssyncadd.tile.s32 @!p0 $0x1;
	_ =	shalt  }
.Lfunc_end2:
_tile_overlayer_lowered:
.L_overlay_start_2:
0x221: {  	(tag) =	ssettag $0x2  }
0x222: {  	s0 =	rddreg [dreg:$0x0];
	s2 =	stileid.u32  }
0x223: {  	s1 =	rddreg [dreg:$0x1];
	p0 =	sne.s32 s2, $0x0  }
0x224: {  	s3 =	rddreg [dreg:$0x2];
	[bflag:$0x3] =	sbarrier.arrive $0xFFFF;
	s2 =	simm.s32 @!p0 $0x1C03  }
0x225: {  	[timem:s3], [sflag:s2] =	dma.local @!p0 [hbm:s0], s1  }
0x226: {  	s0 =	simm.s32 @!p0 $0x3  }
0x227: {  	_ =	swait.ge @!p0 [sflag:s0], s1  }
0x228: {  	s1 =	ssub.s32 @!p0 $0x0, s1;
	[sflag:s0] =	ssyncset.done @!p0 $0x0  }
0x229: {  	[sflag:s0] =	ssyncadd.s32 @!p0 s1  }
0x22a: {  	[bflag:$0x3] =	sbarrier.arrive $0xFFFF  }
0x22b: {  	_ =	shalt  }

</sc_bundles>
